<compile_context>
chip_gen: v7x
topology: tpu7x:2x2x1
jax: 0.10.2.dev20260603
libtpu: 0.0.44.dev20260713+nightly
codegen_flags: <defaults>
</compile_context>

<pallas_src>
import jax
import jax.numpy as jnp
from jax import lax
from jax.experimental import pallas as pl
from jax.experimental.pallas import tpu as pltpu
from jax.experimental.pallas import tpu_sc as plsc

NUM_EMBEDDINGS = 1000000
EMBEDDING_DIM = 64
BATCH = 16384
N_FIELDS = 26
PAD_F = 128
PAD_D = 128

NC, NS = 2, 16
NW = NC * NS
ROWS_PER_W = BATCH // NW
STAGE = 256
GCHUNK = 256
NHALF = ROWS_PER_W // GCHUNK
NUNIT = N_FIELDS * NHALF
NBUF = 4


def _gather_kernel(idx_hbm, table_hbm, out_hbm, idx_stage, idx_cols, rows_v, sems):
    wid = lax.axis_index("s") * NC + lax.axis_index("c")
    base = wid * ROWS_PER_W

    lane = lax.iota(jnp.int32, 16)
    for h in range(ROWS_PER_W // STAGE):
        pltpu.sync_copy(idx_hbm.at[pl.ds(base + h * STAGE, STAGE)], idx_stage)

        def shuffle_field(f, _, h=h):
            def shuffle_16(j, _):
                rows = j * 16 + lane
                cols = jnp.full((16,), 0, jnp.int32) + f
                v = plsc.load_gather(idx_stage, [rows, cols])
                idx_cols[f, pl.ds(h * STAGE + j * 16, 16)] = v << 1
                return ()

            lax.fori_loop(0, STAGE // 16, shuffle_16, ())
            return ()

        lax.fori_loop(0, N_FIELDS, shuffle_field, ())

    def start_unit(u, b):
        f = u // NHALF
        hh = u % NHALF
        pltpu.async_copy(
            table_hbm.at[idx_cols.at[f, pl.ds(hh * GCHUNK, GCHUNK)]],
            rows_v.at[b],
            sems.at[b],
        )

    def finish_unit(u, b):
        f = u // NHALF
        hh = u % NHALF
        pltpu.make_async_copy(
            table_hbm.at[idx_cols.at[f, pl.ds(hh * GCHUNK, GCHUNK)]],
            rows_v.at[b],
            sems.at[b],
        ).wait()
        pltpu.sync_copy(
            rows_v.at[b],
            out_hbm.at[pl.ds(base + hh * GCHUNK, GCHUNK), f],
        )

    for b in range(NBUF):
        start_unit(jnp.int32(b), b)

    def step(i, _):
        for b in range(NBUF):
            u = i + b
            finish_unit(u, b)

            @pl.when(u + NBUF < NUNIT)
            def _():
                start_unit(u + NBUF, b)
        return ()

    lax.fori_loop(0, NUNIT // NBUF, lambda i, c: step(i * NBUF, c), ())


@jax.jit
def _embedding_gather(idx_padded, weight):
    mesh = plsc.VectorSubcoreMesh(core_axis_name="c", subcore_axis_name="s")
    return pl.kernel(
        _gather_kernel,
        out_type=jax.ShapeDtypeStruct((BATCH, N_FIELDS, EMBEDDING_DIM), jnp.float32),
        mesh=mesh,
        scratch_types=[
            pltpu.VMEM((STAGE, PAD_F), jnp.int32),
            pltpu.VMEM((N_FIELDS, ROWS_PER_W), jnp.int32),
            pltpu.VMEM((NBUF, GCHUNK, EMBEDDING_DIM), jnp.float32),
            pltpu.SemaphoreType.DMA((NBUF,)),
        ],
        compiler_params=pltpu.CompilerParams(
            use_tc_tiling_on_sc=False, needs_layout_passes=False
        ),
    )(idx_padded, weight)


def kernel(input_, num_global_tokens, weight):
    del num_global_tokens
    idx_padded = jnp.pad(input_, ((0, 0), (0, PAD_F - N_FIELDS)))
    weight_padded = jnp.pad(weight, ((0, 0), (0, PAD_D - EMBEDDING_DIM)))
    weight_view = jnp.reshape(weight_padded, (2 * NUM_EMBEDDINGS, EMBEDDING_DIM))
    return _embedding_gather(idx_padded, weight_view)

# --- scband reference (transcript-rebuilt; emitter-appended) ---
"""Pipeline reference for scband-oepembedding-49065706390109 (READ-ONLY COPY).

The authoritative reference and input builder live on the scoring server;
editing this copy changes nothing except your own understanding.
"""

import jax, jax.numpy as jnp
import numpy as np

NUM_EMBEDDINGS = 1000000
EMBEDDING_DIM = 64
BATCH = 16384
N_FIELDS = 26


def setup_inputs(seed: int = 0) -> dict:
    key = jax.random.key(seed)
    k1, k2 = jax.random.split(key)
    input_ = jax.random.randint(k1, (BATCH, N_FIELDS), 0, NUM_EMBEDDINGS)
    weight = jax.random.normal(k2, (NUM_EMBEDDINGS, EMBEDDING_DIM), dtype=jnp.float32) * 0.02
    return {"input_": input_, "num_global_tokens": BATCH, "weight": weight}


def reference(input_, num_global_tokens, weight):
    # world_size == 1 path: output = self.linear_method.embedding(self, input_.long())
    # UnquantizedEmbeddingMethod.embedding is a plain row-gather from the weight table.
    # num_global_tokens is only consumed by the all-to-all path (world_size > 1), so it
    # is unused here, matching the original module semantics for a single partition.
    output = jnp.take(weight, input_, axis=0)
    return output

if __name__ == "__main__":
    import jax
    _d = setup_inputs()
    print(jax.jit(kernel)(*tuple(_d.values())))

</pallas_src>

<mosaic_0001>
#map = affine_map<(d0, d1) -> (0, 0)>
#map1 = affine_map<(d0, d1) -> (0, 0, 0)>
module attributes {stable_mosaic.version = 14 : i64} {
  func.func @_gather_kernel(%arg0: i32, %arg1: i32, %arg2: memref<16384x128xi32, #tpu.memory_space<hbm>>, %arg3: memref<2000000x64xf32, #tpu.memory_space<hbm>>, %arg4: memref<16384x26x64xf32, #tpu.memory_space<hbm>>, %arg5: memref<256x128xi32, #tpu.memory_space<vmem>>, %arg6: memref<26x512xi32, #tpu.memory_space<vmem>>, %arg7: memref<4x256x64xf32, #tpu.memory_space<vmem>>, %arg8: memref<4x!tpu.dma_semaphore, #tpu.memory_space<semaphore_mem>>) attributes {dimension_semantics = [#tpu.dimension_semantics<core_parallel>, #tpu.dimension_semantics<subcore_parallel>], iteration_bounds = array<i64: 2, 16>, scalar_prefetch = 0 : i64, scratch_operands = 4 : i64, tpu.core_type = #tpu.core_type<sc_vector_subcore>, window_params = [{transform_indices = #map}, {transform_indices = #map}, {transform_indices = #map1}]} {
    %mul3A = arith.constant 2 : i32
    %mul3A_0 = arith.muli %arg1, %mul3A : i32
    %add3A = arith.addi %mul3A_0, %arg0 : i32
    %mul3A_1 = arith.constant 512 : i32
    %mul3A_2 = arith.muli %add3A, %mul3A_1 : i32
    %iota3A = tpu.iota {dimensions = array<i32: 0>} : vector<16xi32>
    %add3A_3 = arith.constant 0 : i32
    %add3A_4 = arith.addi %mul3A_2, %add3A_3 : i32
    "tpu.region"() ({
      %run_scoped3A = tpu.sem_alloc : memref<!tpu.dma_semaphore, #tpu.memory_space<semaphore_mem>>
      %dma_start3A_238 = arith.constant 0 : i32
      %dma_start3A_239 = tpu.memref_slice %arg2[%add3A_4, %dma_start3A_238] : memref<16384x128xi32, #tpu.memory_space<hbm>> -> memref<256x128xi32, #tpu.memory_space<hbm>>
      %dma_start3A_240 = arith.constant 0 : i32
      %dma_start3A_241 = tpu.memref_slice %arg2[%add3A_4, %dma_start3A_240] : memref<16384x128xi32, #tpu.memory_space<hbm>> -> memref<256x128xi32, #tpu.memory_space<hbm>>
      tpu.enqueue_dma source(%dma_start3A_241 : memref<256x128xi32, #tpu.memory_space<hbm>>) target(%arg5 : memref<256x128xi32, #tpu.memory_space<vmem>>) target_semaphore(%run_scoped3A : memref<!tpu.dma_semaphore, #tpu.memory_space<semaphore_mem>>)
      %dma_wait3A = arith.constant 0 : i32
      %dma_wait3A_242 = tpu.memref_slice %arg2[%add3A_4, %dma_wait3A] : memref<16384x128xi32, #tpu.memory_space<hbm>> -> memref<256x128xi32, #tpu.memory_space<hbm>>
      %dma_wait3A_243 = arith.constant 0 : i32
      %dma_wait3A_244 = tpu.memref_slice %arg2[%add3A_4, %dma_wait3A_243] : memref<16384x128xi32, #tpu.memory_space<hbm>> -> memref<256x128xi32, #tpu.memory_space<hbm>>
      tpu.wait_dma2 semaphore(%run_scoped3A : memref<!tpu.dma_semaphore, #tpu.memory_space<semaphore_mem>>) src(%dma_wait3A_244 : memref<256x128xi32, #tpu.memory_space<hbm>>) dst(%arg5 : memref<256x128xi32, #tpu.memory_space<vmem>>)
      tpu.yield
    }) : () -> ()
    %scan3A = arith.constant 0 : i32
    %scan3A_5 = arith.constant 26 : i32
    %scan3A_6 = arith.addi %scan3A, %scan3A_5 : i32
    %scan3A_7 = arith.constant 1 : i32
    scf.for %scan3A_238 = %scan3A to %scan3A_6 step %scan3A_7  : i32 {
      %scan3A_239 = arith.constant 0 : i32
      %scan3A_240 = arith.constant 16 : i32
      %scan3A_241 = arith.addi %scan3A_239, %scan3A_240 : i32
      %scan3A_242 = arith.constant 1 : i32
      scf.for %scan3A_244 = %scan3A_239 to %scan3A_241 step %scan3A_242  : i32 {
        %mul3A_245 = arith.constant 16 : i32
        %mul3A_246 = arith.muli %scan3A_244, %mul3A_245 : i32
        %add3A_247 = vector.broadcast %mul3A_246 : i32 to vector<16xi32>
        %add3A_248 = arith.addi %add3A_247, %iota3A : vector<16xi32>
        %broadcast_in_dim3A = arith.constant 0 : i32
        %broadcast_in_dim3A_249 = vector.broadcast %broadcast_in_dim3A : i32 to vector<16xi32>
        %add3A_250 = vector.broadcast %scan3A_238 : i32 to vector<16xi32>
        %add3A_251 = arith.addi %broadcast_in_dim3A_249, %add3A_250 : vector<16xi32>
        %gather3A = tpu.vector_load_idx %arg5[%add3A_248, %add3A_251] : memref<256x128xi32, #tpu.memory_space<vmem>>[vector<16xi32>, vector<16xi32>], vector<16xi32>,
        %shift_left3A = arith.constant 1 : i32
        %shift_left3A_252 = vector.broadcast %shift_left3A : i32 to vector<16xi32>
        %shift_left3A_253 = arith.shli %gather3A, %shift_left3A_252 : vector<16xi32>
        %mul3A_254 = arith.constant 16 : i32
        %mul3A_255 = arith.muli %scan3A_244, %mul3A_254 : i32
        %add3A_256 = arith.constant 0 : i32
        %add3A_257 = arith.addi %add3A_256, %mul3A_255 : i32
        %swap3A = arith.index_cast %scan3A_238 : i32 to index
        %swap3A_258 = arith.index_cast %add3A_257 : i32 to index
        %swap3A_259 = tpu.vector_load %arg6[%swap3A, %swap3A_258] {strides = array<i32>} : memref<26x512xi32, #tpu.memory_space<vmem>>, vector<16xi32>,
        tpu.vector_store %arg6[%swap3A, %swap3A_258], %shift_left3A_253 {strides = array<i32>} : memref<26x512xi32, #tpu.memory_space<vmem>>, vector<16xi32>,
      }
      %scan3A_243 = arith.constant 16 : i32
    }
    %scan3A_8 = arith.constant 26 : i32
    %add3A_9 = arith.constant 256 : i32
    %add3A_10 = arith.addi %mul3A_2, %add3A_9 : i32
    "tpu.region"() ({
      %run_scoped3A = tpu.sem_alloc : memref<!tpu.dma_semaphore, #tpu.memory_space<semaphore_mem>>
      %dma_start3A_238 = arith.constant 0 : i32
      %dma_start3A_239 = tpu.memref_slice %arg2[%add3A_10, %dma_start3A_238] : memref<16384x128xi32, #tpu.memory_space<hbm>> -> memref<256x128xi32, #tpu.memory_space<hbm>>
      %dma_start3A_240 = arith.constant 0 : i32
      %dma_start3A_241 = tpu.memref_slice %arg2[%add3A_10, %dma_start3A_240] : memref<16384x128xi32, #tpu.memory_space<hbm>> -> memref<256x128xi32, #tpu.memory_space<hbm>>
      tpu.enqueue_dma source(%dma_start3A_241 : memref<256x128xi32, #tpu.memory_space<hbm>>) target(%arg5 : memref<256x128xi32, #tpu.memory_space<vmem>>) target_semaphore(%run_scoped3A : memref<!tpu.dma_semaphore, #tpu.memory_space<semaphore_mem>>)
      %dma_wait3A = arith.constant 0 : i32
      %dma_wait3A_242 = tpu.memref_slice %arg2[%add3A_10, %dma_wait3A] : memref<16384x128xi32, #tpu.memory_space<hbm>> -> memref<256x128xi32, #tpu.memory_space<hbm>>
      %dma_wait3A_243 = arith.constant 0 : i32
      %dma_wait3A_244 = tpu.memref_slice %arg2[%add3A_10, %dma_wait3A_243] : memref<16384x128xi32, #tpu.memory_space<hbm>> -> memref<256x128xi32, #tpu.memory_space<hbm>>
      tpu.wait_dma2 semaphore(%run_scoped3A : memref<!tpu.dma_semaphore, #tpu.memory_space<semaphore_mem>>) src(%dma_wait3A_244 : memref<256x128xi32, #tpu.memory_space<hbm>>) dst(%arg5 : memref<256x128xi32, #tpu.memory_space<vmem>>)
      tpu.yield
    }) : () -> ()
    %scan3A_11 = arith.constant 0 : i32
    %scan3A_12 = arith.constant 26 : i32
    %scan3A_13 = arith.addi %scan3A_11, %scan3A_12 : i32
    %scan3A_14 = arith.constant 1 : i32
    scf.for %scan3A_238 = %scan3A_11 to %scan3A_13 step %scan3A_14  : i32 {
      %scan3A_239 = arith.constant 0 : i32
      %scan3A_240 = arith.constant 16 : i32
      %scan3A_241 = arith.addi %scan3A_239, %scan3A_240 : i32
      %scan3A_242 = arith.constant 1 : i32
      scf.for %scan3A_244 = %scan3A_239 to %scan3A_241 step %scan3A_242  : i32 {
        %mul3A_245 = arith.constant 16 : i32
        %mul3A_246 = arith.muli %scan3A_244, %mul3A_245 : i32
        %add3A_247 = vector.broadcast %mul3A_246 : i32 to vector<16xi32>
        %add3A_248 = arith.addi %add3A_247, %iota3A : vector<16xi32>
        %broadcast_in_dim3A = arith.constant 0 : i32
        %broadcast_in_dim3A_249 = vector.broadcast %broadcast_in_dim3A : i32 to vector<16xi32>
        %add3A_250 = vector.broadcast %scan3A_238 : i32 to vector<16xi32>
        %add3A_251 = arith.addi %broadcast_in_dim3A_249, %add3A_250 : vector<16xi32>
        %gather3A = tpu.vector_load_idx %arg5[%add3A_248, %add3A_251] : memref<256x128xi32, #tpu.memory_space<vmem>>[vector<16xi32>, vector<16xi32>], vector<16xi32>,
        %shift_left3A = arith.constant 1 : i32
        %shift_left3A_252 = vector.broadcast %shift_left3A : i32 to vector<16xi32>
        %shift_left3A_253 = arith.shli %gather3A, %shift_left3A_252 : vector<16xi32>
        %mul3A_254 = arith.constant 16 : i32
        %mul3A_255 = arith.muli %scan3A_244, %mul3A_254 : i32
        %add3A_256 = arith.constant 256 : i32
        %add3A_257 = arith.addi %add3A_256, %mul3A_255 : i32
        %swap3A = arith.index_cast %scan3A_238 : i32 to index
        %swap3A_258 = arith.index_cast %add3A_257 : i32 to index
        %swap3A_259 = tpu.vector_load %arg6[%swap3A, %swap3A_258] {strides = array<i32>} : memref<26x512xi32, #tpu.memory_space<vmem>>, vector<16xi32>,
        tpu.vector_store %arg6[%swap3A, %swap3A_258], %shift_left3A_253 {strides = array<i32>} : memref<26x512xi32, #tpu.memory_space<vmem>>, vector<16xi32>,
      }
      %scan3A_243 = arith.constant 16 : i32
    }
    %scan3A_15 = arith.constant 26 : i32
    %jit3A = arith.constant 0 : i32
    %jit3A_16 = arith.constant 2 : i32
    %div3A = arith.divsi %jit3A, %jit3A_16 : i32
    %sign3A = arith.constant 0 : i32
    %sign3A_17 = arith.cmpi sgt, %jit3A, %sign3A : i32
    %sign3A_18 = arith.extui %sign3A_17 : i1 to i32
    %sign3A_19 = arith.constant 0 : i32
    %sign3A_20 = arith.cmpi slt, %jit3A, %sign3A_19 : i32
    %sign3A_21 = arith.extui %sign3A_20 : i1 to i32
    %sign3A_22 = arith.subi %sign3A_18, %sign3A_21 : i32
    %sign3A_23 = arith.constant 0 : i32
    %sign3A_24 = arith.cmpi sgt, %jit3A_16, %sign3A_23 : i32
    %sign3A_25 = arith.extui %sign3A_24 : i1 to i32
    %sign3A_26 = arith.constant 0 : i32
    %sign3A_27 = arith.cmpi slt, %jit3A_16, %sign3A_26 : i32
    %sign3A_28 = arith.extui %sign3A_27 : i1 to i32
    %sign3A_29 = arith.subi %sign3A_25, %sign3A_28 : i32
    %ne3A = arith.cmpi ne, %sign3A_22, %sign3A_29 : i32
    %rem3A = arith.remsi %jit3A, %jit3A_16 : i32
    %ne3A_30 = arith.constant 0 : i32
    %ne3A_31 = arith.cmpi ne, %rem3A, %ne3A_30 : i32
    %and3A = arith.andi %ne3A, %ne3A_31 : i1
    %sub3A = arith.constant 1 : i32
    %sub3A_32 = arith.subi %div3A, %sub3A : i32
    %select_n3A = arith.select %and3A, %sub3A_32, %div3A : i32
    %jit3A_33 = arith.constant 0 : i32
    %jit3A_34 = arith.constant 2 : i32
    %eq3A = arith.constant 0 : i32
    %eq3A_35 = arith.cmpi eq, %jit3A_34, %eq3A : i32
    %jit3A_36 = arith.constant 1 : i32
    %select_n3A_37 = arith.select %eq3A_35, %jit3A_36, %jit3A_34 : i32
    %rem3A_38 = arith.remsi %jit3A_33, %select_n3A_37 : i32
    %ne3A_39 = arith.constant 0 : i32
    %ne3A_40 = arith.cmpi ne, %rem3A_38, %ne3A_39 : i32
    %lt3A = arith.constant 0 : i32
    %lt3A_41 = arith.cmpi slt, %rem3A_38, %lt3A : i32
    %lt3A_42 = arith.constant 0 : i32
    %lt3A_43 = arith.cmpi slt, %select_n3A_37, %lt3A_42 : i32
    %ne3A_44 = arith.xori %lt3A_41, %lt3A_43 : i1
    %and3A_45 = arith.andi %ne3A_44, %ne3A_40 : i1
    %add3A_46 = arith.addi %rem3A_38, %select_n3A_37 : i32
    %select_n3A_47 = arith.select %and3A_45, %add3A_46, %rem3A_38 : i32
    %mul3A_48 = arith.constant 256 : i32
    %mul3A_49 = arith.muli %select_n3A_47, %mul3A_48 : i32
    %dma_start3A = arith.constant 0 : i32
    %dma_start3A_50 = arith.constant 0 : i32
    %dma_start3A_51 = arith.constant 0 : i32
    %dma_start3A_52 = arith.constant 0 : i32
    %dma_start3A_53 = tpu.memref_slice %arg7[%dma_start3A, %dma_start3A_51, %dma_start3A_52] : memref<4x256x64xf32, #tpu.memory_space<vmem>> -> memref<1x256x64xf32, #tpu.memory_space<vmem>>
    %dma_start3A_54 = tpu.memref_squeeze %dma_start3A_53 : memref<1x256x64xf32, #tpu.memory_space<vmem>> -> memref<256x64xf32, #tpu.memory_space<vmem>>
    %dma_start3A_55 = tpu.memref_slice %arg6[%select_n3A, %mul3A_49] : memref<26x512xi32, #tpu.memory_space<vmem>> -> memref<1x256xi32, #tpu.memory_space<vmem>>
    %dma_start3A_56 = tpu.memref_squeeze %dma_start3A_55 : memref<1x256xi32, #tpu.memory_space<vmem>> -> memref<256xi32, #tpu.memory_space<vmem>>
    %dma_start3A_57 = arith.constant 0 : i32
    %dma_start3A_58 = arith.constant 0 : i32
    %dma_start3A_59 = tpu.memref_slice %arg3[%dma_start3A_57, %dma_start3A_58] : memref<2000000x64xf32, #tpu.memory_space<hbm>> -> memref<2000000x64xf32, #tpu.memory_space<hbm>>
    %dma_start3A_60 = tpu.memref_slice %arg8[%dma_start3A_50] : memref<4x!tpu.dma_semaphore, #tpu.memory_space<semaphore_mem>> -> memref<1x!tpu.dma_semaphore, #tpu.memory_space<semaphore_mem>>
    %dma_start3A_61 = tpu.memref_squeeze %dma_start3A_60 : memref<1x!tpu.dma_semaphore, #tpu.memory_space<semaphore_mem>> -> memref<!tpu.dma_semaphore, #tpu.memory_space<semaphore_mem>>
    tpu.enqueue_indirect_dma source(%dma_start3A_59 : memref<2000000x64xf32, #tpu.memory_space<hbm>>) target(%dma_start3A_54 : memref<256x64xf32, #tpu.memory_space<vmem>>) offsets(%dma_start3A_56 : memref<256xi32, #tpu.memory_space<vmem>>) semaphore(%dma_start3A_61 : memref<!tpu.dma_semaphore, #tpu.memory_space<semaphore_mem>>)
    %jit3A_62 = arith.constant 1 : i32
    %jit3A_63 = arith.constant 2 : i32
    %div3A_64 = arith.divsi %jit3A_62, %jit3A_63 : i32
    %sign3A_65 = arith.constant 0 : i32
    %sign3A_66 = arith.cmpi sgt, %jit3A_62, %sign3A_65 : i32
    %sign3A_67 = arith.extui %sign3A_66 : i1 to i32
    %sign3A_68 = arith.constant 0 : i32
    %sign3A_69 = arith.cmpi slt, %jit3A_62, %sign3A_68 : i32
    %sign3A_70 = arith.extui %sign3A_69 : i1 to i32
    %sign3A_71 = arith.subi %sign3A_67, %sign3A_70 : i32
    %sign3A_72 = arith.constant 0 : i32
    %sign3A_73 = arith.cmpi sgt, %jit3A_63, %sign3A_72 : i32
    %sign3A_74 = arith.extui %sign3A_73 : i1 to i32
    %sign3A_75 = arith.constant 0 : i32
    %sign3A_76 = arith.cmpi slt, %jit3A_63, %sign3A_75 : i32
    %sign3A_77 = arith.extui %sign3A_76 : i1 to i32
    %sign3A_78 = arith.subi %sign3A_74, %sign3A_77 : i32
    %ne3A_79 = arith.cmpi ne, %sign3A_71, %sign3A_78 : i32
    %rem3A_80 = arith.remsi %jit3A_62, %jit3A_63 : i32
    %ne3A_81 = arith.constant 0 : i32
    %ne3A_82 = arith.cmpi ne, %rem3A_80, %ne3A_81 : i32
    %and3A_83 = arith.andi %ne3A_79, %ne3A_82 : i1
    %sub3A_84 = arith.constant 1 : i32
    %sub3A_85 = arith.subi %div3A_64, %sub3A_84 : i32
    %select_n3A_86 = arith.select %and3A_83, %sub3A_85, %div3A_64 : i32
    %jit3A_87 = arith.constant 1 : i32
    %jit3A_88 = arith.constant 2 : i32
    %eq3A_89 = arith.constant 0 : i32
    %eq3A_90 = arith.cmpi eq, %jit3A_88, %eq3A_89 : i32
    %jit3A_91 = arith.constant 1 : i32
    %select_n3A_92 = arith.select %eq3A_90, %jit3A_91, %jit3A_88 : i32
    %rem3A_93 = arith.remsi %jit3A_87, %select_n3A_92 : i32
    %ne3A_94 = arith.constant 0 : i32
    %ne3A_95 = arith.cmpi ne, %rem3A_93, %ne3A_94 : i32
    %lt3A_96 = arith.constant 0 : i32
    %lt3A_97 = arith.cmpi slt, %rem3A_93, %lt3A_96 : i32
    %lt3A_98 = arith.constant 0 : i32
    %lt3A_99 = arith.cmpi slt, %select_n3A_92, %lt3A_98 : i32
    %ne3A_100 = arith.xori %lt3A_97, %lt3A_99 : i1
    %and3A_101 = arith.andi %ne3A_100, %ne3A_95 : i1
    %add3A_102 = arith.addi %rem3A_93, %select_n3A_92 : i32
    %select_n3A_103 = arith.select %and3A_101, %add3A_102, %rem3A_93 : i32
    %mul3A_104 = arith.constant 256 : i32
    %mul3A_105 = arith.muli %select_n3A_103, %mul3A_104 : i32
    %dma_start3A_106 = arith.constant 1 : i32
    %dma_start3A_107 = arith.constant 1 : i32
    %dma_start3A_108 = arith.constant 0 : i32
    %dma_start3A_109 = arith.constant 0 : i32
    %dma_start3A_110 = tpu.memref_slice %arg7[%dma_start3A_106, %dma_start3A_108, %dma_start3A_109] : memref<4x256x64xf32, #tpu.memory_space<vmem>> -> memref<1x256x64xf32, #tpu.memory_space<vmem>>
    %dma_start3A_111 = tpu.memref_squeeze %dma_start3A_110 : memref<1x256x64xf32, #tpu.memory_space<vmem>> -> memref<256x64xf32, #tpu.memory_space<vmem>>
    %dma_start3A_112 = tpu.memref_slice %arg6[%select_n3A_86, %mul3A_105] : memref<26x512xi32, #tpu.memory_space<vmem>> -> memref<1x256xi32, #tpu.memory_space<vmem>>
    %dma_start3A_113 = tpu.memref_squeeze %dma_start3A_112 : memref<1x256xi32, #tpu.memory_space<vmem>> -> memref<256xi32, #tpu.memory_space<vmem>>
    %dma_start3A_114 = arith.constant 0 : i32
    %dma_start3A_115 = arith.constant 0 : i32
    %dma_start3A_116 = tpu.memref_slice %arg3[%dma_start3A_114, %dma_start3A_115] : memref<2000000x64xf32, #tpu.memory_space<hbm>> -> memref<2000000x64xf32, #tpu.memory_space<hbm>>
    %dma_start3A_117 = tpu.memref_slice %arg8[%dma_start3A_107] : memref<4x!tpu.dma_semaphore, #tpu.memory_space<semaphore_mem>> -> memref<1x!tpu.dma_semaphore, #tpu.memory_space<semaphore_mem>>
    %dma_start3A_118 = tpu.memref_squeeze %dma_start3A_117 : memref<1x!tpu.dma_semaphore, #tpu.memory_space<semaphore_mem>> -> memref<!tpu.dma_semaphore, #tpu.memory_space<semaphore_mem>>
    tpu.enqueue_indirect_dma source(%dma_start3A_116 : memref<2000000x64xf32, #tpu.memory_space<hbm>>) target(%dma_start3A_111 : memref<256x64xf32, #tpu.memory_space<vmem>>) offsets(%dma_start3A_113 : memref<256xi32, #tpu.memory_space<vmem>>) semaphore(%dma_start3A_118 : memref<!tpu.dma_semaphore, #tpu.memory_space<semaphore_mem>>)
    %jit3A_119 = arith.constant 2 : i32
    %jit3A_120 = arith.constant 2 : i32
    %div3A_121 = arith.divsi %jit3A_119, %jit3A_120 : i32
    %sign3A_122 = arith.constant 0 : i32
    %sign3A_123 = arith.cmpi sgt, %jit3A_119, %sign3A_122 : i32
    %sign3A_124 = arith.extui %sign3A_123 : i1 to i32
    %sign3A_125 = arith.constant 0 : i32
    %sign3A_126 = arith.cmpi slt, %jit3A_119, %sign3A_125 : i32
    %sign3A_127 = arith.extui %sign3A_126 : i1 to i32
    %sign3A_128 = arith.subi %sign3A_124, %sign3A_127 : i32
    %sign3A_129 = arith.constant 0 : i32
    %sign3A_130 = arith.cmpi sgt, %jit3A_120, %sign3A_129 : i32
    %sign3A_131 = arith.extui %sign3A_130 : i1 to i32
    %sign3A_132 = arith.constant 0 : i32
    %sign3A_133 = arith.cmpi slt, %jit3A_120, %sign3A_132 : i32
    %sign3A_134 = arith.extui %sign3A_133 : i1 to i32
    %sign3A_135 = arith.subi %sign3A_131, %sign3A_134 : i32
    %ne3A_136 = arith.cmpi ne, %sign3A_128, %sign3A_135 : i32
    %rem3A_137 = arith.remsi %jit3A_119, %jit3A_120 : i32
    %ne3A_138 = arith.constant 0 : i32
    %ne3A_139 = arith.cmpi ne, %rem3A_137, %ne3A_138 : i32
    %and3A_140 = arith.andi %ne3A_136, %ne3A_139 : i1
    %sub3A_141 = arith.constant 1 : i32
    %sub3A_142 = arith.subi %div3A_121, %sub3A_141 : i32
    %select_n3A_143 = arith.select %and3A_140, %sub3A_142, %div3A_121 : i32
    %jit3A_144 = arith.constant 2 : i32
    %jit3A_145 = arith.constant 2 : i32
    %eq3A_146 = arith.constant 0 : i32
    %eq3A_147 = arith.cmpi eq, %jit3A_145, %eq3A_146 : i32
    %jit3A_148 = arith.constant 1 : i32
    %select_n3A_149 = arith.select %eq3A_147, %jit3A_148, %jit3A_145 : i32
    %rem3A_150 = arith.remsi %jit3A_144, %select_n3A_149 : i32
    %ne3A_151 = arith.constant 0 : i32
    %ne3A_152 = arith.cmpi ne, %rem3A_150, %ne3A_151 : i32
    %lt3A_153 = arith.constant 0 : i32
    %lt3A_154 = arith.cmpi slt, %rem3A_150, %lt3A_153 : i32
    %lt3A_155 = arith.constant 0 : i32
    %lt3A_156 = arith.cmpi slt, %select_n3A_149, %lt3A_155 : i32
    %ne3A_157 = arith.xori %lt3A_154, %lt3A_156 : i1
    %and3A_158 = arith.andi %ne3A_157, %ne3A_152 : i1
    %add3A_159 = arith.addi %rem3A_150, %select_n3A_149 : i32
    %select_n3A_160 = arith.select %and3A_158, %add3A_159, %rem3A_150 : i32
    %mul3A_161 = arith.constant 256 : i32
    %mul3A_162 = arith.muli %select_n3A_160, %mul3A_161 : i32
    %dma_start3A_163 = arith.constant 2 : i32
    %dma_start3A_164 = arith.constant 2 : i32
    %dma_start3A_165 = arith.constant 0 : i32
    %dma_start3A_166 = arith.constant 0 : i32
    %dma_start3A_167 = tpu.memref_slice %arg7[%dma_start3A_163, %dma_start3A_165, %dma_start3A_166] : memref<4x256x64xf32, #tpu.memory_space<vmem>> -> memref<1x256x64xf32, #tpu.memory_space<vmem>>
    %dma_start3A_168 = tpu.memref_squeeze %dma_start3A_167 : memref<1x256x64xf32, #tpu.memory_space<vmem>> -> memref<256x64xf32, #tpu.memory_space<vmem>>
    %dma_start3A_169 = tpu.memref_slice %arg6[%select_n3A_143, %mul3A_162] : memref<26x512xi32, #tpu.memory_space<vmem>> -> memref<1x256xi32, #tpu.memory_space<vmem>>
    %dma_start3A_170 = tpu.memref_squeeze %dma_start3A_169 : memref<1x256xi32, #tpu.memory_space<vmem>> -> memref<256xi32, #tpu.memory_space<vmem>>
    %dma_start3A_171 = arith.constant 0 : i32
    %dma_start3A_172 = arith.constant 0 : i32
    %dma_start3A_173 = tpu.memref_slice %arg3[%dma_start3A_171, %dma_start3A_172] : memref<2000000x64xf32, #tpu.memory_space<hbm>> -> memref<2000000x64xf32, #tpu.memory_space<hbm>>
    %dma_start3A_174 = tpu.memref_slice %arg8[%dma_start3A_164] : memref<4x!tpu.dma_semaphore, #tpu.memory_space<semaphore_mem>> -> memref<1x!tpu.dma_semaphore, #tpu.memory_space<semaphore_mem>>
    %dma_start3A_175 = tpu.memref_squeeze %dma_start3A_174 : memref<1x!tpu.dma_semaphore, #tpu.memory_space<semaphore_mem>> -> memref<!tpu.dma_semaphore, #tpu.memory_space<semaphore_mem>>
    tpu.enqueue_indirect_dma source(%dma_start3A_173 : memref<2000000x64xf32, #tpu.memory_space<hbm>>) target(%dma_start3A_168 : memref<256x64xf32, #tpu.memory_space<vmem>>) offsets(%dma_start3A_170 : memref<256xi32, #tpu.memory_space<vmem>>) semaphore(%dma_start3A_175 : memref<!tpu.dma_semaphore, #tpu.memory_space<semaphore_mem>>)
    %jit3A_176 = arith.constant 3 : i32
    %jit3A_177 = arith.constant 2 : i32
    %div3A_178 = arith.divsi %jit3A_176, %jit3A_177 : i32
    %sign3A_179 = arith.constant 0 : i32
    %sign3A_180 = arith.cmpi sgt, %jit3A_176, %sign3A_179 : i32
    %sign3A_181 = arith.extui %sign3A_180 : i1 to i32
    %sign3A_182 = arith.constant 0 : i32
    %sign3A_183 = arith.cmpi slt, %jit3A_176, %sign3A_182 : i32
    %sign3A_184 = arith.extui %sign3A_183 : i1 to i32
    %sign3A_185 = arith.subi %sign3A_181, %sign3A_184 : i32
    %sign3A_186 = arith.constant 0 : i32
    %sign3A_187 = arith.cmpi sgt, %jit3A_177, %sign3A_186 : i32
    %sign3A_188 = arith.extui %sign3A_187 : i1 to i32
    %sign3A_189 = arith.constant 0 : i32
    %sign3A_190 = arith.cmpi slt, %jit3A_177, %sign3A_189 : i32
    %sign3A_191 = arith.extui %sign3A_190 : i1 to i32
    %sign3A_192 = arith.subi %sign3A_188, %sign3A_191 : i32
    %ne3A_193 = arith.cmpi ne, %sign3A_185, %sign3A_192 : i32
    %rem3A_194 = arith.remsi %jit3A_176, %jit3A_177 : i32
    %ne3A_195 = arith.constant 0 : i32
    %ne3A_196 = arith.cmpi ne, %rem3A_194, %ne3A_195 : i32
    %and3A_197 = arith.andi %ne3A_193, %ne3A_196 : i1
    %sub3A_198 = arith.constant 1 : i32
    %sub3A_199 = arith.subi %div3A_178, %sub3A_198 : i32
    %select_n3A_200 = arith.select %and3A_197, %sub3A_199, %div3A_178 : i32
    %jit3A_201 = arith.constant 3 : i32
    %jit3A_202 = arith.constant 2 : i32
    %eq3A_203 = arith.constant 0 : i32
    %eq3A_204 = arith.cmpi eq, %jit3A_202, %eq3A_203 : i32
    %jit3A_205 = arith.constant 1 : i32
    %select_n3A_206 = arith.select %eq3A_204, %jit3A_205, %jit3A_202 : i32
    %rem3A_207 = arith.remsi %jit3A_201, %select_n3A_206 : i32
    %ne3A_208 = arith.constant 0 : i32
    %ne3A_209 = arith.cmpi ne, %rem3A_207, %ne3A_208 : i32
    %lt3A_210 = arith.constant 0 : i32
    %lt3A_211 = arith.cmpi slt, %rem3A_207, %lt3A_210 : i32
    %lt3A_212 = arith.constant 0 : i32
    %lt3A_213 = arith.cmpi slt, %select_n3A_206, %lt3A_212 : i32
    %ne3A_214 = arith.xori %lt3A_211, %lt3A_213 : i1
    %and3A_215 = arith.andi %ne3A_214, %ne3A_209 : i1
    %add3A_216 = arith.addi %rem3A_207, %select_n3A_206 : i32
    %select_n3A_217 = arith.select %and3A_215, %add3A_216, %rem3A_207 : i32
    %mul3A_218 = arith.constant 256 : i32
    %mul3A_219 = arith.muli %select_n3A_217, %mul3A_218 : i32
    %dma_start3A_220 = arith.constant 3 : i32
    %dma_start3A_221 = arith.constant 3 : i32
    %dma_start3A_222 = arith.constant 0 : i32
    %dma_start3A_223 = arith.constant 0 : i32
    %dma_start3A_224 = tpu.memref_slice %arg7[%dma_start3A_220, %dma_start3A_222, %dma_start3A_223] : memref<4x256x64xf32, #tpu.memory_space<vmem>> -> memref<1x256x64xf32, #tpu.memory_space<vmem>>
    %dma_start3A_225 = tpu.memref_squeeze %dma_start3A_224 : memref<1x256x64xf32, #tpu.memory_space<vmem>> -> memref<256x64xf32, #tpu.memory_space<vmem>>
    %dma_start3A_226 = tpu.memref_slice %arg6[%select_n3A_200, %mul3A_219] : memref<26x512xi32, #tpu.memory_space<vmem>> -> memref<1x256xi32, #tpu.memory_space<vmem>>
    %dma_start3A_227 = tpu.memref_squeeze %dma_start3A_226 : memref<1x256xi32, #tpu.memory_space<vmem>> -> memref<256xi32, #tpu.memory_space<vmem>>
    %dma_start3A_228 = arith.constant 0 : i32
    %dma_start3A_229 = arith.constant 0 : i32
    %dma_start3A_230 = tpu.memref_slice %arg3[%dma_start3A_228, %dma_start3A_229] : memref<2000000x64xf32, #tpu.memory_space<hbm>> -> memref<2000000x64xf32, #tpu.memory_space<hbm>>
    %dma_start3A_231 = tpu.memref_slice %arg8[%dma_start3A_221] : memref<4x!tpu.dma_semaphore, #tpu.memory_space<semaphore_mem>> -> memref<1x!tpu.dma_semaphore, #tpu.memory_space<semaphore_mem>>
    %dma_start3A_232 = tpu.memref_squeeze %dma_start3A_231 : memref<1x!tpu.dma_semaphore, #tpu.memory_space<semaphore_mem>> -> memref<!tpu.dma_semaphore, #tpu.memory_space<semaphore_mem>>
    tpu.enqueue_indirect_dma source(%dma_start3A_230 : memref<2000000x64xf32, #tpu.memory_space<hbm>>) target(%dma_start3A_225 : memref<256x64xf32, #tpu.memory_space<vmem>>) offsets(%dma_start3A_227 : memref<256xi32, #tpu.memory_space<vmem>>) semaphore(%dma_start3A_232 : memref<!tpu.dma_semaphore, #tpu.memory_space<semaphore_mem>>)
    %scan3A_233 = arith.constant 0 : i32
    %scan3A_234 = arith.constant 13 : i32
    %scan3A_235 = arith.addi %scan3A_233, %scan3A_234 : i32
    %scan3A_236 = arith.constant 1 : i32
    scf.for %scan3A_238 = %scan3A_233 to %scan3A_235 step %scan3A_236  : i32 {
      %mul3A_239 = arith.constant 4 : i32
      %mul3A_240 = arith.muli %scan3A_238, %mul3A_239 : i32
      %add3A_241 = arith.constant 0 : i32
      %add3A_242 = arith.addi %mul3A_240, %add3A_241 : i32
      %jit3A_243 = arith.constant 2 : i32
      %div3A_244 = arith.divsi %add3A_242, %jit3A_243 : i32
      %sign3A_245 = arith.constant 0 : i32
      %sign3A_246 = arith.cmpi sgt, %add3A_242, %sign3A_245 : i32
      %sign3A_247 = arith.extui %sign3A_246 : i1 to i32
      %sign3A_248 = arith.constant 0 : i32
      %sign3A_249 = arith.cmpi slt, %add3A_242, %sign3A_248 : i32
      %sign3A_250 = arith.extui %sign3A_249 : i1 to i32
      %sign3A_251 = arith.subi %sign3A_247, %sign3A_250 : i32
      %sign3A_252 = arith.constant 0 : i32
      %sign3A_253 = arith.cmpi sgt, %jit3A_243, %sign3A_252 : i32
      %sign3A_254 = arith.extui %sign3A_253 : i1 to i32
      %sign3A_255 = arith.constant 0 : i32
      %sign3A_256 = arith.cmpi slt, %jit3A_243, %sign3A_255 : i32
      %sign3A_257 = arith.extui %sign3A_256 : i1 to i32
      %sign3A_258 = arith.subi %sign3A_254, %sign3A_257 : i32
      %ne3A_259 = arith.cmpi ne, %sign3A_251, %sign3A_258 : i32
      %rem3A_260 = arith.remsi %add3A_242, %jit3A_243 : i32
      %ne3A_261 = arith.constant 0 : i32
      %ne3A_262 = arith.cmpi ne, %rem3A_260, %ne3A_261 : i32
      %and3A_263 = arith.andi %ne3A_259, %ne3A_262 : i1
      %sub3A_264 = arith.constant 1 : i32
      %sub3A_265 = arith.subi %div3A_244, %sub3A_264 : i32
      %select_n3A_266 = arith.select %and3A_263, %sub3A_265, %div3A_244 : i32
      %jit3A_267 = arith.constant 2 : i32
      %eq3A_268 = arith.constant 0 : i32
      %eq3A_269 = arith.cmpi eq, %jit3A_267, %eq3A_268 : i32
      %jit3A_270 = arith.constant 1 : i32
      %select_n3A_271 = arith.select %eq3A_269, %jit3A_270, %jit3A_267 : i32
      %rem3A_272 = arith.remsi %add3A_242, %select_n3A_271 : i32
      %ne3A_273 = arith.constant 0 : i32
      %ne3A_274 = arith.cmpi ne, %rem3A_272, %ne3A_273 : i32
      %lt3A_275 = arith.constant 0 : i32
      %lt3A_276 = arith.cmpi slt, %rem3A_272, %lt3A_275 : i32
      %lt3A_277 = arith.constant 0 : i32
      %lt3A_278 = arith.cmpi slt, %select_n3A_271, %lt3A_277 : i32
      %ne3A_279 = arith.xori %lt3A_276, %lt3A_278 : i1
      %and3A_280 = arith.andi %ne3A_279, %ne3A_274 : i1
      %add3A_281 = arith.addi %rem3A_272, %select_n3A_271 : i32
      %select_n3A_282 = arith.select %and3A_280, %add3A_281, %rem3A_272 : i32
      %mul3A_283 = arith.constant 256 : i32
      %mul3A_284 = arith.muli %select_n3A_282, %mul3A_283 : i32
      %dma_wait3A = arith.constant 0 : i32
      %dma_wait3A_285 = arith.constant 0 : i32
      %dma_wait3A_286 = arith.constant 0 : i32
      %dma_wait3A_287 = arith.constant 0 : i32
      %dma_wait3A_288 = tpu.memref_slice %arg7[%dma_wait3A, %dma_wait3A_286, %dma_wait3A_287] : memref<4x256x64xf32, #tpu.memory_space<vmem>> -> memref<1x256x64xf32, #tpu.memory_space<vmem>>
      %dma_wait3A_289 = tpu.memref_squeeze %dma_wait3A_288 : memref<1x256x64xf32, #tpu.memory_space<vmem>> -> memref<256x64xf32, #tpu.memory_space<vmem>>
      %dma_wait3A_290 = tpu.memref_slice %arg6[%select_n3A_266, %mul3A_284] : memref<26x512xi32, #tpu.memory_space<vmem>> -> memref<1x256xi32, #tpu.memory_space<vmem>>
      %dma_wait3A_291 = tpu.memref_squeeze %dma_wait3A_290 : memref<1x256xi32, #tpu.memory_space<vmem>> -> memref<256xi32, #tpu.memory_space<vmem>>
      %dma_wait3A_292 = arith.constant 0 : i32
      %dma_wait3A_293 = arith.constant 0 : i32
      %dma_wait3A_294 = tpu.memref_slice %arg3[%dma_wait3A_292, %dma_wait3A_293] : memref<2000000x64xf32, #tpu.memory_space<hbm>> -> memref<2000000x64xf32, #tpu.memory_space<hbm>>
      %dma_wait3A_295 = tpu.memref_slice %arg8[%dma_wait3A_285] : memref<4x!tpu.dma_semaphore, #tpu.memory_space<semaphore_mem>> -> memref<1x!tpu.dma_semaphore, #tpu.memory_space<semaphore_mem>>
      %dma_wait3A_296 = tpu.memref_squeeze %dma_wait3A_295 : memref<1x!tpu.dma_semaphore, #tpu.memory_space<semaphore_mem>> -> memref<!tpu.dma_semaphore, #tpu.memory_space<semaphore_mem>>
      tpu.wait_indirect_dma semaphore(%dma_wait3A_296 : memref<!tpu.dma_semaphore, #tpu.memory_space<semaphore_mem>>) src(%dma_wait3A_294 : memref<2000000x64xf32, #tpu.memory_space<hbm>>) dst(%dma_wait3A_289 : memref<256x64xf32, #tpu.memory_space<vmem>>)
      %mul3A_297 = arith.constant 256 : i32
      %mul3A_298 = arith.muli %select_n3A_282, %mul3A_297 : i32
      %add3A_299 = arith.addi %mul3A_2, %mul3A_298 : i32
      %run_scoped3A = arith.constant 0 : i32
      "tpu.region"() ({
        %run_scoped3A_509 = tpu.sem_alloc : memref<!tpu.dma_semaphore, #tpu.memory_space<semaphore_mem>>
        %dma_start3A_510 = arith.constant 0 : i32
        %dma_start3A_511 = arith.constant 0 : i32
        %dma_start3A_512 = tpu.memref_slice %arg7[%run_scoped3A, %dma_start3A_510, %dma_start3A_511] : memref<4x256x64xf32, #tpu.memory_space<vmem>> -> memref<1x256x64xf32, #tpu.memory_space<vmem>>
        %dma_start3A_513 = tpu.memref_squeeze %dma_start3A_512 : memref<1x256x64xf32, #tpu.memory_space<vmem>> -> memref<256x64xf32, #tpu.memory_space<vmem>>
        %dma_start3A_514 = arith.constant 0 : i32
        %dma_start3A_515 = tpu.memref_slice %arg4[%add3A_299, %select_n3A_266, %dma_start3A_514] : memref<16384x26x64xf32, #tpu.memory_space<hbm>> -> memref<256x1x64xf32, #tpu.memory_space<hbm>>
        %dma_start3A_516 = tpu.memref_squeeze %dma_start3A_515 : memref<256x1x64xf32, #tpu.memory_space<hbm>> -> memref<256x64xf32, #tpu.memory_space<hbm>>
        %dma_start3A_517 = arith.constant 0 : i32
        %dma_start3A_518 = tpu.memref_slice %arg4[%add3A_299, %select_n3A_266, %dma_start3A_517] : memref<16384x26x64xf32, #tpu.memory_space<hbm>> -> memref<256x1x64xf32, #tpu.memory_space<hbm>>
        %dma_start3A_519 = tpu.memref_squeeze %dma_start3A_518 : memref<256x1x64xf32, #tpu.memory_space<hbm>> -> memref<256x64xf32, #tpu.memory_space<hbm>>
        %dma_start3A_520 = arith.constant 0 : i32
        %dma_start3A_521 = arith.constant 0 : i32
        %dma_start3A_522 = tpu.memref_slice %arg7[%run_scoped3A, %dma_start3A_520, %dma_start3A_521] : memref<4x256x64xf32, #tpu.memory_space<vmem>> -> memref<1x256x64xf32, #tpu.memory_space<vmem>>
        %dma_start3A_523 = tpu.memref_squeeze %dma_start3A_522 : memref<1x256x64xf32, #tpu.memory_space<vmem>> -> memref<256x64xf32, #tpu.memory_space<vmem>>
        tpu.enqueue_dma source(%dma_start3A_523 : memref<256x64xf32, #tpu.memory_space<vmem>>) target(%dma_start3A_519 : memref<256x64xf32, #tpu.memory_space<hbm>>) target_semaphore(%run_scoped3A_509 : memref<!tpu.dma_semaphore, #tpu.memory_space<semaphore_mem>>)
        %dma_wait3A_524 = arith.constant 0 : i32
        %dma_wait3A_525 = arith.constant 0 : i32
        %dma_wait3A_526 = tpu.memref_slice %arg7[%run_scoped3A, %dma_wait3A_524, %dma_wait3A_525] : memref<4x256x64xf32, #tpu.memory_space<vmem>> -> memref<1x256x64xf32, #tpu.memory_space<vmem>>
        %dma_wait3A_527 = tpu.memref_squeeze %dma_wait3A_526 : memref<1x256x64xf32, #tpu.memory_space<vmem>> -> memref<256x64xf32, #tpu.memory_space<vmem>>
        %dma_wait3A_528 = arith.constant 0 : i32
        %dma_wait3A_529 = tpu.memref_slice %arg4[%add3A_299, %select_n3A_266, %dma_wait3A_528] : memref<16384x26x64xf32, #tpu.memory_space<hbm>> -> memref<256x1x64xf32, #tpu.memory_space<hbm>>
        %dma_wait3A_530 = tpu.memref_squeeze %dma_wait3A_529 : memref<256x1x64xf32, #tpu.memory_space<hbm>> -> memref<256x64xf32, #tpu.memory_space<hbm>>
        %dma_wait3A_531 = arith.constant 0 : i32
        %dma_wait3A_532 = tpu.memref_slice %arg4[%add3A_299, %select_n3A_266, %dma_wait3A_531] : memref<16384x26x64xf32, #tpu.memory_space<hbm>> -> memref<256x1x64xf32, #tpu.memory_space<hbm>>
        %dma_wait3A_533 = tpu.memref_squeeze %dma_wait3A_532 : memref<256x1x64xf32, #tpu.memory_space<hbm>> -> memref<256x64xf32, #tpu.memory_space<hbm>>
        %dma_wait3A_534 = arith.constant 0 : i32
        %dma_wait3A_535 = arith.constant 0 : i32
        %dma_wait3A_536 = tpu.memref_slice %arg7[%run_scoped3A, %dma_wait3A_534, %dma_wait3A_535] : memref<4x256x64xf32, #tpu.memory_space<vmem>> -> memref<1x256x64xf32, #tpu.memory_space<vmem>>
        %dma_wait3A_537 = tpu.memref_squeeze %dma_wait3A_536 : memref<1x256x64xf32, #tpu.memory_space<vmem>> -> memref<256x64xf32, #tpu.memory_space<vmem>>
        tpu.wait_dma2 semaphore(%run_scoped3A_509 : memref<!tpu.dma_semaphore, #tpu.memory_space<semaphore_mem>>) src(%dma_wait3A_537 : memref<256x64xf32, #tpu.memory_space<vmem>>) dst(%dma_wait3A_533 : memref<256x64xf32, #tpu.memory_space<hbm>>)
        tpu.yield
      }) : () -> ()
      %add3A_300 = arith.constant 4 : i32
      %add3A_301 = arith.addi %add3A_242, %add3A_300 : i32
      %lt3A_302 = arith.constant 52 : i32
      %lt3A_303 = arith.cmpi slt, %add3A_301, %lt3A_302 : i32
      %convert_element_type3A = arith.extui %lt3A_303 : i1 to i32
      %cond3A = arith.constant 0 : i32
      %cond3A_304 = arith.cmpi ne, %convert_element_type3A, %cond3A : i32
      scf.if %cond3A_304 {
        %add3A_509 = arith.constant 4 : i32
        %add3A_510 = arith.addi %add3A_242, %add3A_509 : i32
        %jit3A_511 = arith.constant 2 : i32
        %div3A_512 = arith.divsi %add3A_510, %jit3A_511 : i32
        %sign3A_513 = arith.constant 0 : i32
        %sign3A_514 = arith.cmpi sgt, %add3A_510, %sign3A_513 : i32
        %sign3A_515 = arith.extui %sign3A_514 : i1 to i32
        %sign3A_516 = arith.constant 0 : i32
        %sign3A_517 = arith.cmpi slt, %add3A_510, %sign3A_516 : i32
        %sign3A_518 = arith.extui %sign3A_517 : i1 to i32
        %sign3A_519 = arith.subi %sign3A_515, %sign3A_518 : i32
        %sign3A_520 = arith.constant 0 : i32
        %sign3A_521 = arith.cmpi sgt, %jit3A_511, %sign3A_520 : i32
        %sign3A_522 = arith.extui %sign3A_521 : i1 to i32
        %sign3A_523 = arith.constant 0 : i32
        %sign3A_524 = arith.cmpi slt, %jit3A_511, %sign3A_523 : i32
        %sign3A_525 = arith.extui %sign3A_524 : i1 to i32
        %sign3A_526 = arith.subi %sign3A_522, %sign3A_525 : i32
        %ne3A_527 = arith.cmpi ne, %sign3A_519, %sign3A_526 : i32
        %rem3A_528 = arith.remsi %add3A_510, %jit3A_511 : i32
        %ne3A_529 = arith.constant 0 : i32
        %ne3A_530 = arith.cmpi ne, %rem3A_528, %ne3A_529 : i32
        %and3A_531 = arith.andi %ne3A_527, %ne3A_530 : i1
        %sub3A_532 = arith.constant 1 : i32
        %sub3A_533 = arith.subi %div3A_512, %sub3A_532 : i32
        %select_n3A_534 = arith.select %and3A_531, %sub3A_533, %div3A_512 : i32
        %jit3A_535 = arith.constant 2 : i32
        %eq3A_536 = arith.constant 0 : i32
        %eq3A_537 = arith.cmpi eq, %jit3A_535, %eq3A_536 : i32
        %jit3A_538 = arith.constant 1 : i32
        %select_n3A_539 = arith.select %eq3A_537, %jit3A_538, %jit3A_535 : i32
        %rem3A_540 = arith.remsi %add3A_510, %select_n3A_539 : i32
        %ne3A_541 = arith.constant 0 : i32
        %ne3A_542 = arith.cmpi ne, %rem3A_540, %ne3A_541 : i32
        %lt3A_543 = arith.constant 0 : i32
        %lt3A_544 = arith.cmpi slt, %rem3A_540, %lt3A_543 : i32
        %lt3A_545 = arith.constant 0 : i32
        %lt3A_546 = arith.cmpi slt, %select_n3A_539, %lt3A_545 : i32
        %ne3A_547 = arith.xori %lt3A_544, %lt3A_546 : i1
        %and3A_548 = arith.andi %ne3A_547, %ne3A_542 : i1
        %add3A_549 = arith.addi %rem3A_540, %select_n3A_539 : i32
        %select_n3A_550 = arith.select %and3A_548, %add3A_549, %rem3A_540 : i32
        %mul3A_551 = arith.constant 256 : i32
        %mul3A_552 = arith.muli %select_n3A_550, %mul3A_551 : i32
        %dma_start3A_553 = arith.constant 0 : i32
        %dma_start3A_554 = arith.constant 0 : i32
        %dma_start3A_555 = arith.constant 0 : i32
        %dma_start3A_556 = arith.constant 0 : i32
        %dma_start3A_557 = tpu.memref_slice %arg7[%dma_start3A_553, %dma_start3A_555, %dma_start3A_556] : memref<4x256x64xf32, #tpu.memory_space<vmem>> -> memref<1x256x64xf32, #tpu.memory_space<vmem>>
        %dma_start3A_558 = tpu.memref_squeeze %dma_start3A_557 : memref<1x256x64xf32, #tpu.memory_space<vmem>> -> memref<256x64xf32, #tpu.memory_space<vmem>>
        %dma_start3A_559 = tpu.memref_slice %arg6[%select_n3A_534, %mul3A_552] : memref<26x512xi32, #tpu.memory_space<vmem>> -> memref<1x256xi32, #tpu.memory_space<vmem>>
        %dma_start3A_560 = tpu.memref_squeeze %dma_start3A_559 : memref<1x256xi32, #tpu.memory_space<vmem>> -> memref<256xi32, #tpu.memory_space<vmem>>
        %dma_start3A_561 = arith.constant 0 : i32
        %dma_start3A_562 = arith.constant 0 : i32
        %dma_start3A_563 = tpu.memref_slice %arg3[%dma_start3A_561, %dma_start3A_562] : memref<2000000x64xf32, #tpu.memory_space<hbm>> -> memref<2000000x64xf32, #tpu.memory_space<hbm>>
        %dma_start3A_564 = tpu.memref_slice %arg8[%dma_start3A_554] : memref<4x!tpu.dma_semaphore, #tpu.memory_space<semaphore_mem>> -> memref<1x!tpu.dma_semaphore, #tpu.memory_space<semaphore_mem>>
        %dma_start3A_565 = tpu.memref_squeeze %dma_start3A_564 : memref<1x!tpu.dma_semaphore, #tpu.memory_space<semaphore_mem>> -> memref<!tpu.dma_semaphore, #tpu.memory_space<semaphore_mem>>
        tpu.enqueue_indirect_dma source(%dma_start3A_563 : memref<2000000x64xf32, #tpu.memory_space<hbm>>) target(%dma_start3A_558 : memref<256x64xf32, #tpu.memory_space<vmem>>) offsets(%dma_start3A_560 : memref<256xi32, #tpu.memory_space<vmem>>) semaphore(%dma_start3A_565 : memref<!tpu.dma_semaphore, #tpu.memory_space<semaphore_mem>>)
      } else {
      }
      %add3A_305 = arith.constant 1 : i32
      %add3A_306 = arith.addi %mul3A_240, %add3A_305 : i32
      %jit3A_307 = arith.constant 2 : i32
      %div3A_308 = arith.divsi %add3A_306, %jit3A_307 : i32
      %sign3A_309 = arith.constant 0 : i32
      %sign3A_310 = arith.cmpi sgt, %add3A_306, %sign3A_309 : i32
      %sign3A_311 = arith.extui %sign3A_310 : i1 to i32
      %sign3A_312 = arith.constant 0 : i32
      %sign3A_313 = arith.cmpi slt, %add3A_306, %sign3A_312 : i32
      %sign3A_314 = arith.extui %sign3A_313 : i1 to i32
      %sign3A_315 = arith.subi %sign3A_311, %sign3A_314 : i32
      %sign3A_316 = arith.constant 0 : i32
      %sign3A_317 = arith.cmpi sgt, %jit3A_307, %sign3A_316 : i32
      %sign3A_318 = arith.extui %sign3A_317 : i1 to i32
      %sign3A_319 = arith.constant 0 : i32
      %sign3A_320 = arith.cmpi slt, %jit3A_307, %sign3A_319 : i32
      %sign3A_321 = arith.extui %sign3A_320 : i1 to i32
      %sign3A_322 = arith.subi %sign3A_318, %sign3A_321 : i32
      %ne3A_323 = arith.cmpi ne, %sign3A_315, %sign3A_322 : i32
      %rem3A_324 = arith.remsi %add3A_306, %jit3A_307 : i32
      %ne3A_325 = arith.constant 0 : i32
      %ne3A_326 = arith.cmpi ne, %rem3A_324, %ne3A_325 : i32
      %and3A_327 = arith.andi %ne3A_323, %ne3A_326 : i1
      %sub3A_328 = arith.constant 1 : i32
      %sub3A_329 = arith.subi %div3A_308, %sub3A_328 : i32
      %select_n3A_330 = arith.select %and3A_327, %sub3A_329, %div3A_308 : i32
      %jit3A_331 = arith.constant 2 : i32
      %eq3A_332 = arith.constant 0 : i32
      %eq3A_333 = arith.cmpi eq, %jit3A_331, %eq3A_332 : i32
      %jit3A_334 = arith.constant 1 : i32
      %select_n3A_335 = arith.select %eq3A_333, %jit3A_334, %jit3A_331 : i32
      %rem3A_336 = arith.remsi %add3A_306, %select_n3A_335 : i32
      %ne3A_337 = arith.constant 0 : i32
      %ne3A_338 = arith.cmpi ne, %rem3A_336, %ne3A_337 : i32
      %lt3A_339 = arith.constant 0 : i32
      %lt3A_340 = arith.cmpi slt, %rem3A_336, %lt3A_339 : i32
      %lt3A_341 = arith.constant 0 : i32
      %lt3A_342 = arith.cmpi slt, %select_n3A_335, %lt3A_341 : i32
      %ne3A_343 = arith.xori %lt3A_340, %lt3A_342 : i1
      %and3A_344 = arith.andi %ne3A_343, %ne3A_338 : i1
      %add3A_345 = arith.addi %rem3A_336, %select_n3A_335 : i32
      %select_n3A_346 = arith.select %and3A_344, %add3A_345, %rem3A_336 : i32
      %mul3A_347 = arith.constant 256 : i32
      %mul3A_348 = arith.muli %select_n3A_346, %mul3A_347 : i32
      %dma_wait3A_349 = arith.constant 1 : i32
      %dma_wait3A_350 = arith.constant 1 : i32
      %dma_wait3A_351 = arith.constant 0 : i32
      %dma_wait3A_352 = arith.constant 0 : i32
      %dma_wait3A_353 = tpu.memref_slice %arg7[%dma_wait3A_349, %dma_wait3A_351, %dma_wait3A_352] : memref<4x256x64xf32, #tpu.memory_space<vmem>> -> memref<1x256x64xf32, #tpu.memory_space<vmem>>
      %dma_wait3A_354 = tpu.memref_squeeze %dma_wait3A_353 : memref<1x256x64xf32, #tpu.memory_space<vmem>> -> memref<256x64xf32, #tpu.memory_space<vmem>>
      %dma_wait3A_355 = tpu.memref_slice %arg6[%select_n3A_330, %mul3A_348] : memref<26x512xi32, #tpu.memory_space<vmem>> -> memref<1x256xi32, #tpu.memory_space<vmem>>
      %dma_wait3A_356 = tpu.memref_squeeze %dma_wait3A_355 : memref<1x256xi32, #tpu.memory_space<vmem>> -> memref<256xi32, #tpu.memory_space<vmem>>
      %dma_wait3A_357 = arith.constant 0 : i32
      %dma_wait3A_358 = arith.constant 0 : i32
      %dma_wait3A_359 = tpu.memref_slice %arg3[%dma_wait3A_357, %dma_wait3A_358] : memref<2000000x64xf32, #tpu.memory_space<hbm>> -> memref<2000000x64xf32, #tpu.memory_space<hbm>>
      %dma_wait3A_360 = tpu.memref_slice %arg8[%dma_wait3A_350] : memref<4x!tpu.dma_semaphore, #tpu.memory_space<semaphore_mem>> -> memref<1x!tpu.dma_semaphore, #tpu.memory_space<semaphore_mem>>
      %dma_wait3A_361 = tpu.memref_squeeze %dma_wait3A_360 : memref<1x!tpu.dma_semaphore, #tpu.memory_space<semaphore_mem>> -> memref<!tpu.dma_semaphore, #tpu.memory_space<semaphore_mem>>
      tpu.wait_indirect_dma semaphore(%dma_wait3A_361 : memref<!tpu.dma_semaphore, #tpu.memory_space<semaphore_mem>>) src(%dma_wait3A_359 : memref<2000000x64xf32, #tpu.memory_space<hbm>>) dst(%dma_wait3A_354 : memref<256x64xf32, #tpu.memory_space<vmem>>)
      %mul3A_362 = arith.constant 256 : i32
      %mul3A_363 = arith.muli %select_n3A_346, %mul3A_362 : i32
      %add3A_364 = arith.addi %mul3A_2, %mul3A_363 : i32
      %run_scoped3A_365 = arith.constant 1 : i32
      "tpu.region"() ({
        %run_scoped3A_509 = tpu.sem_alloc : memref<!tpu.dma_semaphore, #tpu.memory_space<semaphore_mem>>
        %dma_start3A_510 = arith.constant 0 : i32
        %dma_start3A_511 = arith.constant 0 : i32
        %dma_start3A_512 = tpu.memref_slice %arg7[%run_scoped3A_365, %dma_start3A_510, %dma_start3A_511] : memref<4x256x64xf32, #tpu.memory_space<vmem>> -> memref<1x256x64xf32, #tpu.memory_space<vmem>>
        %dma_start3A_513 = tpu.memref_squeeze %dma_start3A_512 : memref<1x256x64xf32, #tpu.memory_space<vmem>> -> memref<256x64xf32, #tpu.memory_space<vmem>>
        %dma_start3A_514 = arith.constant 0 : i32
        %dma_start3A_515 = tpu.memref_slice %arg4[%add3A_364, %select_n3A_330, %dma_start3A_514] : memref<16384x26x64xf32, #tpu.memory_space<hbm>> -> memref<256x1x64xf32, #tpu.memory_space<hbm>>
        %dma_start3A_516 = tpu.memref_squeeze %dma_start3A_515 : memref<256x1x64xf32, #tpu.memory_space<hbm>> -> memref<256x64xf32, #tpu.memory_space<hbm>>
        %dma_start3A_517 = arith.constant 0 : i32
        %dma_start3A_518 = tpu.memref_slice %arg4[%add3A_364, %select_n3A_330, %dma_start3A_517] : memref<16384x26x64xf32, #tpu.memory_space<hbm>> -> memref<256x1x64xf32, #tpu.memory_space<hbm>>
        %dma_start3A_519 = tpu.memref_squeeze %dma_start3A_518 : memref<256x1x64xf32, #tpu.memory_space<hbm>> -> memref<256x64xf32, #tpu.memory_space<hbm>>
        %dma_start3A_520 = arith.constant 0 : i32
        %dma_start3A_521 = arith.constant 0 : i32
        %dma_start3A_522 = tpu.memref_slice %arg7[%run_scoped3A_365, %dma_start3A_520, %dma_start3A_521] : memref<4x256x64xf32, #tpu.memory_space<vmem>> -> memref<1x256x64xf32, #tpu.memory_space<vmem>>
        %dma_start3A_523 = tpu.memref_squeeze %dma_start3A_522 : memref<1x256x64xf32, #tpu.memory_space<vmem>> -> memref<256x64xf32, #tpu.memory_space<vmem>>
        tpu.enqueue_dma source(%dma_start3A_523 : memref<256x64xf32, #tpu.memory_space<vmem>>) target(%dma_start3A_519 : memref<256x64xf32, #tpu.memory_space<hbm>>) target_semaphore(%run_scoped3A_509 : memref<!tpu.dma_semaphore, #tpu.memory_space<semaphore_mem>>)
        %dma_wait3A_524 = arith.constant 0 : i32
        %dma_wait3A_525 = arith.constant 0 : i32
        %dma_wait3A_526 = tpu.memref_slice %arg7[%run_scoped3A_365, %dma_wait3A_524, %dma_wait3A_525] : memref<4x256x64xf32, #tpu.memory_space<vmem>> -> memref<1x256x64xf32, #tpu.memory_space<vmem>>
        %dma_wait3A_527 = tpu.memref_squeeze %dma_wait3A_526 : memref<1x256x64xf32, #tpu.memory_space<vmem>> -> memref<256x64xf32, #tpu.memory_space<vmem>>
        %dma_wait3A_528 = arith.constant 0 : i32
        %dma_wait3A_529 = tpu.memref_slice %arg4[%add3A_364, %select_n3A_330, %dma_wait3A_528] : memref<16384x26x64xf32, #tpu.memory_space<hbm>> -> memref<256x1x64xf32, #tpu.memory_space<hbm>>
        %dma_wait3A_530 = tpu.memref_squeeze %dma_wait3A_529 : memref<256x1x64xf32, #tpu.memory_space<hbm>> -> memref<256x64xf32, #tpu.memory_space<hbm>>
        %dma_wait3A_531 = arith.constant 0 : i32
        %dma_wait3A_532 = tpu.memref_slice %arg4[%add3A_364, %select_n3A_330, %dma_wait3A_531] : memref<16384x26x64xf32, #tpu.memory_space<hbm>> -> memref<256x1x64xf32, #tpu.memory_space<hbm>>
        %dma_wait3A_533 = tpu.memref_squeeze %dma_wait3A_532 : memref<256x1x64xf32, #tpu.memory_space<hbm>> -> memref<256x64xf32, #tpu.memory_space<hbm>>
        %dma_wait3A_534 = arith.constant 0 : i32
        %dma_wait3A_535 = arith.constant 0 : i32
        %dma_wait3A_536 = tpu.memref_slice %arg7[%run_scoped3A_365, %dma_wait3A_534, %dma_wait3A_535] : memref<4x256x64xf32, #tpu.memory_space<vmem>> -> memref<1x256x64xf32, #tpu.memory_space<vmem>>
        %dma_wait3A_537 = tpu.memref_squeeze %dma_wait3A_536 : memref<1x256x64xf32, #tpu.memory_space<vmem>> -> memref<256x64xf32, #tpu.memory_space<vmem>>
        tpu.wait_dma2 semaphore(%run_scoped3A_509 : memref<!tpu.dma_semaphore, #tpu.memory_space<semaphore_mem>>) src(%dma_wait3A_537 : memref<256x64xf32, #tpu.memory_space<vmem>>) dst(%dma_wait3A_533 : memref<256x64xf32, #tpu.memory_space<hbm>>)
        tpu.yield
      }) : () -> ()
      %add3A_366 = arith.constant 4 : i32
      %add3A_367 = arith.addi %add3A_306, %add3A_366 : i32
      %lt3A_368 = arith.constant 52 : i32
      %lt3A_369 = arith.cmpi slt, %add3A_367, %lt3A_368 : i32
      %convert_element_type3A_370 = arith.extui %lt3A_369 : i1 to i32
      %cond3A_371 = arith.constant 0 : i32
      %cond3A_372 = arith.cmpi ne, %convert_element_type3A_370, %cond3A_371 : i32
      scf.if %cond3A_372 {
        %add3A_509 = arith.constant 4 : i32
        %add3A_510 = arith.addi %add3A_306, %add3A_509 : i32
        %jit3A_511 = arith.constant 2 : i32
        %div3A_512 = arith.divsi %add3A_510, %jit3A_511 : i32
        %sign3A_513 = arith.constant 0 : i32
        %sign3A_514 = arith.cmpi sgt, %add3A_510, %sign3A_513 : i32
        %sign3A_515 = arith.extui %sign3A_514 : i1 to i32
        %sign3A_516 = arith.constant 0 : i32
        %sign3A_517 = arith.cmpi slt, %add3A_510, %sign3A_516 : i32
        %sign3A_518 = arith.extui %sign3A_517 : i1 to i32
        %sign3A_519 = arith.subi %sign3A_515, %sign3A_518 : i32
        %sign3A_520 = arith.constant 0 : i32
        %sign3A_521 = arith.cmpi sgt, %jit3A_511, %sign3A_520 : i32
        %sign3A_522 = arith.extui %sign3A_521 : i1 to i32
        %sign3A_523 = arith.constant 0 : i32
        %sign3A_524 = arith.cmpi slt, %jit3A_511, %sign3A_523 : i32
        %sign3A_525 = arith.extui %sign3A_524 : i1 to i32
        %sign3A_526 = arith.subi %sign3A_522, %sign3A_525 : i32
        %ne3A_527 = arith.cmpi ne, %sign3A_519, %sign3A_526 : i32
        %rem3A_528 = arith.remsi %add3A_510, %jit3A_511 : i32
        %ne3A_529 = arith.constant 0 : i32
        %ne3A_530 = arith.cmpi ne, %rem3A_528, %ne3A_529 : i32
        %and3A_531 = arith.andi %ne3A_527, %ne3A_530 : i1
        %sub3A_532 = arith.constant 1 : i32
        %sub3A_533 = arith.subi %div3A_512, %sub3A_532 : i32
        %select_n3A_534 = arith.select %and3A_531, %sub3A_533, %div3A_512 : i32
        %jit3A_535 = arith.constant 2 : i32
        %eq3A_536 = arith.constant 0 : i32
        %eq3A_537 = arith.cmpi eq, %jit3A_535, %eq3A_536 : i32
        %jit3A_538 = arith.constant 1 : i32
        %select_n3A_539 = arith.select %eq3A_537, %jit3A_538, %jit3A_535 : i32
        %rem3A_540 = arith.remsi %add3A_510, %select_n3A_539 : i32
        %ne3A_541 = arith.constant 0 : i32
        %ne3A_542 = arith.cmpi ne, %rem3A_540, %ne3A_541 : i32
        %lt3A_543 = arith.constant 0 : i32
        %lt3A_544 = arith.cmpi slt, %rem3A_540, %lt3A_543 : i32
        %lt3A_545 = arith.constant 0 : i32
        %lt3A_546 = arith.cmpi slt, %select_n3A_539, %lt3A_545 : i32
        %ne3A_547 = arith.xori %lt3A_544, %lt3A_546 : i1
        %and3A_548 = arith.andi %ne3A_547, %ne3A_542 : i1
        %add3A_549 = arith.addi %rem3A_540, %select_n3A_539 : i32
        %select_n3A_550 = arith.select %and3A_548, %add3A_549, %rem3A_540 : i32
        %mul3A_551 = arith.constant 256 : i32
        %mul3A_552 = arith.muli %select_n3A_550, %mul3A_551 : i32
        %dma_start3A_553 = arith.constant 1 : i32
        %dma_start3A_554 = arith.constant 1 : i32
        %dma_start3A_555 = arith.constant 0 : i32
        %dma_start3A_556 = arith.constant 0 : i32
        %dma_start3A_557 = tpu.memref_slice %arg7[%dma_start3A_553, %dma_start3A_555, %dma_start3A_556] : memref<4x256x64xf32, #tpu.memory_space<vmem>> -> memref<1x256x64xf32, #tpu.memory_space<vmem>>
        %dma_start3A_558 = tpu.memref_squeeze %dma_start3A_557 : memref<1x256x64xf32, #tpu.memory_space<vmem>> -> memref<256x64xf32, #tpu.memory_space<vmem>>
        %dma_start3A_559 = tpu.memref_slice %arg6[%select_n3A_534, %mul3A_552] : memref<26x512xi32, #tpu.memory_space<vmem>> -> memref<1x256xi32, #tpu.memory_space<vmem>>
        %dma_start3A_560 = tpu.memref_squeeze %dma_start3A_559 : memref<1x256xi32, #tpu.memory_space<vmem>> -> memref<256xi32, #tpu.memory_space<vmem>>
        %dma_start3A_561 = arith.constant 0 : i32
        %dma_start3A_562 = arith.constant 0 : i32
        %dma_start3A_563 = tpu.memref_slice %arg3[%dma_start3A_561, %dma_start3A_562] : memref<2000000x64xf32, #tpu.memory_space<hbm>> -> memref<2000000x64xf32, #tpu.memory_space<hbm>>
        %dma_start3A_564 = tpu.memref_slice %arg8[%dma_start3A_554] : memref<4x!tpu.dma_semaphore, #tpu.memory_space<semaphore_mem>> -> memref<1x!tpu.dma_semaphore, #tpu.memory_space<semaphore_mem>>
        %dma_start3A_565 = tpu.memref_squeeze %dma_start3A_564 : memref<1x!tpu.dma_semaphore, #tpu.memory_space<semaphore_mem>> -> memref<!tpu.dma_semaphore, #tpu.memory_space<semaphore_mem>>
        tpu.enqueue_indirect_dma source(%dma_start3A_563 : memref<2000000x64xf32, #tpu.memory_space<hbm>>) target(%dma_start3A_558 : memref<256x64xf32, #tpu.memory_space<vmem>>) offsets(%dma_start3A_560 : memref<256xi32, #tpu.memory_space<vmem>>) semaphore(%dma_start3A_565 : memref<!tpu.dma_semaphore, #tpu.memory_space<semaphore_mem>>)
      } else {
      }
      %add3A_373 = arith.constant 2 : i32
      %add3A_374 = arith.addi %mul3A_240, %add3A_373 : i32
      %jit3A_375 = arith.constant 2 : i32
      %div3A_376 = arith.divsi %add3A_374, %jit3A_375 : i32
      %sign3A_377 = arith.constant 0 : i32
      %sign3A_378 = arith.cmpi sgt, %add3A_374, %sign3A_377 : i32
      %sign3A_379 = arith.extui %sign3A_378 : i1 to i32
      %sign3A_380 = arith.constant 0 : i32
      %sign3A_381 = arith.cmpi slt, %add3A_374, %sign3A_380 : i32
      %sign3A_382 = arith.extui %sign3A_381 : i1 to i32
      %sign3A_383 = arith.subi %sign3A_379, %sign3A_382 : i32
      %sign3A_384 = arith.constant 0 : i32
      %sign3A_385 = arith.cmpi sgt, %jit3A_375, %sign3A_384 : i32
      %sign3A_386 = arith.extui %sign3A_385 : i1 to i32
      %sign3A_387 = arith.constant 0 : i32
      %sign3A_388 = arith.cmpi slt, %jit3A_375, %sign3A_387 : i32
      %sign3A_389 = arith.extui %sign3A_388 : i1 to i32
      %sign3A_390 = arith.subi %sign3A_386, %sign3A_389 : i32
      %ne3A_391 = arith.cmpi ne, %sign3A_383, %sign3A_390 : i32
      %rem3A_392 = arith.remsi %add3A_374, %jit3A_375 : i32
      %ne3A_393 = arith.constant 0 : i32
      %ne3A_394 = arith.cmpi ne, %rem3A_392, %ne3A_393 : i32
      %and3A_395 = arith.andi %ne3A_391, %ne3A_394 : i1
      %sub3A_396 = arith.constant 1 : i32
      %sub3A_397 = arith.subi %div3A_376, %sub3A_396 : i32
      %select_n3A_398 = arith.select %and3A_395, %sub3A_397, %div3A_376 : i32
      %jit3A_399 = arith.constant 2 : i32
      %eq3A_400 = arith.constant 0 : i32
      %eq3A_401 = arith.cmpi eq, %jit3A_399, %eq3A_400 : i32
      %jit3A_402 = arith.constant 1 : i32
      %select_n3A_403 = arith.select %eq3A_401, %jit3A_402, %jit3A_399 : i32
      %rem3A_404 = arith.remsi %add3A_374, %select_n3A_403 : i32
      %ne3A_405 = arith.constant 0 : i32
      %ne3A_406 = arith.cmpi ne, %rem3A_404, %ne3A_405 : i32
      %lt3A_407 = arith.constant 0 : i32
      %lt3A_408 = arith.cmpi slt, %rem3A_404, %lt3A_407 : i32
      %lt3A_409 = arith.constant 0 : i32
      %lt3A_410 = arith.cmpi slt, %select_n3A_403, %lt3A_409 : i32
      %ne3A_411 = arith.xori %lt3A_408, %lt3A_410 : i1
      %and3A_412 = arith.andi %ne3A_411, %ne3A_406 : i1
      %add3A_413 = arith.addi %rem3A_404, %select_n3A_403 : i32
      %select_n3A_414 = arith.select %and3A_412, %add3A_413, %rem3A_404 : i32
      %mul3A_415 = arith.constant 256 : i32
      %mul3A_416 = arith.muli %select_n3A_414, %mul3A_415 : i32
      %dma_wait3A_417 = arith.constant 2 : i32
      %dma_wait3A_418 = arith.constant 2 : i32
      %dma_wait3A_419 = arith.constant 0 : i32
      %dma_wait3A_420 = arith.constant 0 : i32
      %dma_wait3A_421 = tpu.memref_slice %arg7[%dma_wait3A_417, %dma_wait3A_419, %dma_wait3A_420] : memref<4x256x64xf32, #tpu.memory_space<vmem>> -> memref<1x256x64xf32, #tpu.memory_space<vmem>>
      %dma_wait3A_422 = tpu.memref_squeeze %dma_wait3A_421 : memref<1x256x64xf32, #tpu.memory_space<vmem>> -> memref<256x64xf32, #tpu.memory_space<vmem>>
      %dma_wait3A_423 = tpu.memref_slice %arg6[%select_n3A_398, %mul3A_416] : memref<26x512xi32, #tpu.memory_space<vmem>> -> memref<1x256xi32, #tpu.memory_space<vmem>>
      %dma_wait3A_424 = tpu.memref_squeeze %dma_wait3A_423 : memref<1x256xi32, #tpu.memory_space<vmem>> -> memref<256xi32, #tpu.memory_space<vmem>>
      %dma_wait3A_425 = arith.constant 0 : i32
      %dma_wait3A_426 = arith.constant 0 : i32
      %dma_wait3A_427 = tpu.memref_slice %arg3[%dma_wait3A_425, %dma_wait3A_426] : memref<2000000x64xf32, #tpu.memory_space<hbm>> -> memref<2000000x64xf32, #tpu.memory_space<hbm>>
      %dma_wait3A_428 = tpu.memref_slice %arg8[%dma_wait3A_418] : memref<4x!tpu.dma_semaphore, #tpu.memory_space<semaphore_mem>> -> memref<1x!tpu.dma_semaphore, #tpu.memory_space<semaphore_mem>>
      %dma_wait3A_429 = tpu.memref_squeeze %dma_wait3A_428 : memref<1x!tpu.dma_semaphore, #tpu.memory_space<semaphore_mem>> -> memref<!tpu.dma_semaphore, #tpu.memory_space<semaphore_mem>>
      tpu.wait_indirect_dma semaphore(%dma_wait3A_429 : memref<!tpu.dma_semaphore, #tpu.memory_space<semaphore_mem>>) src(%dma_wait3A_427 : memref<2000000x64xf32, #tpu.memory_space<hbm>>) dst(%dma_wait3A_422 : memref<256x64xf32, #tpu.memory_space<vmem>>)
      %mul3A_430 = arith.constant 256 : i32
      %mul3A_431 = arith.muli %select_n3A_414, %mul3A_430 : i32
      %add3A_432 = arith.addi %mul3A_2, %mul3A_431 : i32
      %run_scoped3A_433 = arith.constant 2 : i32
      "tpu.region"() ({
        %run_scoped3A_509 = tpu.sem_alloc : memref<!tpu.dma_semaphore, #tpu.memory_space<semaphore_mem>>
        %dma_start3A_510 = arith.constant 0 : i32
        %dma_start3A_511 = arith.constant 0 : i32
        %dma_start3A_512 = tpu.memref_slice %arg7[%run_scoped3A_433, %dma_start3A_510, %dma_start3A_511] : memref<4x256x64xf32, #tpu.memory_space<vmem>> -> memref<1x256x64xf32, #tpu.memory_space<vmem>>
        %dma_start3A_513 = tpu.memref_squeeze %dma_start3A_512 : memref<1x256x64xf32, #tpu.memory_space<vmem>> -> memref<256x64xf32, #tpu.memory_space<vmem>>
        %dma_start3A_514 = arith.constant 0 : i32
        %dma_start3A_515 = tpu.memref_slice %arg4[%add3A_432, %select_n3A_398, %dma_start3A_514] : memref<16384x26x64xf32, #tpu.memory_space<hbm>> -> memref<256x1x64xf32, #tpu.memory_space<hbm>>
        %dma_start3A_516 = tpu.memref_squeeze %dma_start3A_515 : memref<256x1x64xf32, #tpu.memory_space<hbm>> -> memref<256x64xf32, #tpu.memory_space<hbm>>
        %dma_start3A_517 = arith.constant 0 : i32
        %dma_start3A_518 = tpu.memref_slice %arg4[%add3A_432, %select_n3A_398, %dma_start3A_517] : memref<16384x26x64xf32, #tpu.memory_space<hbm>> -> memref<256x1x64xf32, #tpu.memory_space<hbm>>
        %dma_start3A_519 = tpu.memref_squeeze %dma_start3A_518 : memref<256x1x64xf32, #tpu.memory_space<hbm>> -> memref<256x64xf32, #tpu.memory_space<hbm>>
        %dma_start3A_520 = arith.constant 0 : i32
        %dma_start3A_521 = arith.constant 0 : i32
        %dma_start3A_522 = tpu.memref_slice %arg7[%run_scoped3A_433, %dma_start3A_520, %dma_start3A_521] : memref<4x256x64xf32, #tpu.memory_space<vmem>> -> memref<1x256x64xf32, #tpu.memory_space<vmem>>
        %dma_start3A_523 = tpu.memref_squeeze %dma_start3A_522 : memref<1x256x64xf32, #tpu.memory_space<vmem>> -> memref<256x64xf32, #tpu.memory_space<vmem>>
        tpu.enqueue_dma source(%dma_start3A_523 : memref<256x64xf32, #tpu.memory_space<vmem>>) target(%dma_start3A_519 : memref<256x64xf32, #tpu.memory_space<hbm>>) target_semaphore(%run_scoped3A_509 : memref<!tpu.dma_semaphore, #tpu.memory_space<semaphore_mem>>)
        %dma_wait3A_524 = arith.constant 0 : i32
        %dma_wait3A_525 = arith.constant 0 : i32
        %dma_wait3A_526 = tpu.memref_slice %arg7[%run_scoped3A_433, %dma_wait3A_524, %dma_wait3A_525] : memref<4x256x64xf32, #tpu.memory_space<vmem>> -> memref<1x256x64xf32, #tpu.memory_space<vmem>>
        %dma_wait3A_527 = tpu.memref_squeeze %dma_wait3A_526 : memref<1x256x64xf32, #tpu.memory_space<vmem>> -> memref<256x64xf32, #tpu.memory_space<vmem>>
        %dma_wait3A_528 = arith.constant 0 : i32
        %dma_wait3A_529 = tpu.memref_slice %arg4[%add3A_432, %select_n3A_398, %dma_wait3A_528] : memref<16384x26x64xf32, #tpu.memory_space<hbm>> -> memref<256x1x64xf32, #tpu.memory_space<hbm>>
        %dma_wait3A_530 = tpu.memref_squeeze %dma_wait3A_529 : memref<256x1x64xf32, #tpu.memory_space<hbm>> -> memref<256x64xf32, #tpu.memory_space<hbm>>
        %dma_wait3A_531 = arith.constant 0 : i32
        %dma_wait3A_532 = tpu.memref_slice %arg4[%add3A_432, %select_n3A_398, %dma_wait3A_531] : memref<16384x26x64xf32, #tpu.memory_space<hbm>> -> memref<256x1x64xf32, #tpu.memory_space<hbm>>
        %dma_wait3A_533 = tpu.memref_squeeze %dma_wait3A_532 : memref<256x1x64xf32, #tpu.memory_space<hbm>> -> memref<256x64xf32, #tpu.memory_space<hbm>>
        %dma_wait3A_534 = arith.constant 0 : i32
        %dma_wait3A_535 = arith.constant 0 : i32
        %dma_wait3A_536 = tpu.memref_slice %arg7[%run_scoped3A_433, %dma_wait3A_534, %dma_wait3A_535] : memref<4x256x64xf32, #tpu.memory_space<vmem>> -> memref<1x256x64xf32, #tpu.memory_space<vmem>>
        %dma_wait3A_537 = tpu.memref_squeeze %dma_wait3A_536 : memref<1x256x64xf32, #tpu.memory_space<vmem>> -> memref<256x64xf32, #tpu.memory_space<vmem>>
        tpu.wait_dma2 semaphore(%run_scoped3A_509 : memref<!tpu.dma_semaphore, #tpu.memory_space<semaphore_mem>>) src(%dma_wait3A_537 : memref<256x64xf32, #tpu.memory_space<vmem>>) dst(%dma_wait3A_533 : memref<256x64xf32, #tpu.memory_space<hbm>>)
        tpu.yield
      }) : () -> ()
      %add3A_434 = arith.constant 4 : i32
      %add3A_435 = arith.addi %add3A_374, %add3A_434 : i32
      %lt3A_436 = arith.constant 52 : i32
      %lt3A_437 = arith.cmpi slt, %add3A_435, %lt3A_436 : i32
      %convert_element_type3A_438 = arith.extui %lt3A_437 : i1 to i32
      %cond3A_439 = arith.constant 0 : i32
      %cond3A_440 = arith.cmpi ne, %convert_element_type3A_438, %cond3A_439 : i32
      scf.if %cond3A_440 {
        %add3A_509 = arith.constant 4 : i32
        %add3A_510 = arith.addi %add3A_374, %add3A_509 : i32
        %jit3A_511 = arith.constant 2 : i32
        %div3A_512 = arith.divsi %add3A_510, %jit3A_511 : i32
        %sign3A_513 = arith.constant 0 : i32
        %sign3A_514 = arith.cmpi sgt, %add3A_510, %sign3A_513 : i32
        %sign3A_515 = arith.extui %sign3A_514 : i1 to i32
        %sign3A_516 = arith.constant 0 : i32
        %sign3A_517 = arith.cmpi slt, %add3A_510, %sign3A_516 : i32
        %sign3A_518 = arith.extui %sign3A_517 : i1 to i32
        %sign3A_519 = arith.subi %sign3A_515, %sign3A_518 : i32
        %sign3A_520 = arith.constant 0 : i32
        %sign3A_521 = arith.cmpi sgt, %jit3A_511, %sign3A_520 : i32
        %sign3A_522 = arith.extui %sign3A_521 : i1 to i32
        %sign3A_523 = arith.constant 0 : i32
        %sign3A_524 = arith.cmpi slt, %jit3A_511, %sign3A_523 : i32
        %sign3A_525 = arith.extui %sign3A_524 : i1 to i32
        %sign3A_526 = arith.subi %sign3A_522, %sign3A_525 : i32
        %ne3A_527 = arith.cmpi ne, %sign3A_519, %sign3A_526 : i32
        %rem3A_528 = arith.remsi %add3A_510, %jit3A_511 : i32
        %ne3A_529 = arith.constant 0 : i32
        %ne3A_530 = arith.cmpi ne, %rem3A_528, %ne3A_529 : i32
        %and3A_531 = arith.andi %ne3A_527, %ne3A_530 : i1
        %sub3A_532 = arith.constant 1 : i32
        %sub3A_533 = arith.subi %div3A_512, %sub3A_532 : i32
        %select_n3A_534 = arith.select %and3A_531, %sub3A_533, %div3A_512 : i32
        %jit3A_535 = arith.constant 2 : i32
        %eq3A_536 = arith.constant 0 : i32
        %eq3A_537 = arith.cmpi eq, %jit3A_535, %eq3A_536 : i32
        %jit3A_538 = arith.constant 1 : i32
        %select_n3A_539 = arith.select %eq3A_537, %jit3A_538, %jit3A_535 : i32
        %rem3A_540 = arith.remsi %add3A_510, %select_n3A_539 : i32
        %ne3A_541 = arith.constant 0 : i32
        %ne3A_542 = arith.cmpi ne, %rem3A_540, %ne3A_541 : i32
        %lt3A_543 = arith.constant 0 : i32
        %lt3A_544 = arith.cmpi slt, %rem3A_540, %lt3A_543 : i32
        %lt3A_545 = arith.constant 0 : i32
        %lt3A_546 = arith.cmpi slt, %select_n3A_539, %lt3A_545 : i32
        %ne3A_547 = arith.xori %lt3A_544, %lt3A_546 : i1
        %and3A_548 = arith.andi %ne3A_547, %ne3A_542 : i1
        %add3A_549 = arith.addi %rem3A_540, %select_n3A_539 : i32
        %select_n3A_550 = arith.select %and3A_548, %add3A_549, %rem3A_540 : i32
        %mul3A_551 = arith.constant 256 : i32
        %mul3A_552 = arith.muli %select_n3A_550, %mul3A_551 : i32
        %dma_start3A_553 = arith.constant 2 : i32
        %dma_start3A_554 = arith.constant 2 : i32
        %dma_start3A_555 = arith.constant 0 : i32
        %dma_start3A_556 = arith.constant 0 : i32
        %dma_start3A_557 = tpu.memref_slice %arg7[%dma_start3A_553, %dma_start3A_555, %dma_start3A_556] : memref<4x256x64xf32, #tpu.memory_space<vmem>> -> memref<1x256x64xf32, #tpu.memory_space<vmem>>
        %dma_start3A_558 = tpu.memref_squeeze %dma_start3A_557 : memref<1x256x64xf32, #tpu.memory_space<vmem>> -> memref<256x64xf32, #tpu.memory_space<vmem>>
        %dma_start3A_559 = tpu.memref_slice %arg6[%select_n3A_534, %mul3A_552] : memref<26x512xi32, #tpu.memory_space<vmem>> -> memref<1x256xi32, #tpu.memory_space<vmem>>
        %dma_start3A_560 = tpu.memref_squeeze %dma_start3A_559 : memref<1x256xi32, #tpu.memory_space<vmem>> -> memref<256xi32, #tpu.memory_space<vmem>>
        %dma_start3A_561 = arith.constant 0 : i32
        %dma_start3A_562 = arith.constant 0 : i32
        %dma_start3A_563 = tpu.memref_slice %arg3[%dma_start3A_561, %dma_start3A_562] : memref<2000000x64xf32, #tpu.memory_space<hbm>> -> memref<2000000x64xf32, #tpu.memory_space<hbm>>
        %dma_start3A_564 = tpu.memref_slice %arg8[%dma_start3A_554] : memref<4x!tpu.dma_semaphore, #tpu.memory_space<semaphore_mem>> -> memref<1x!tpu.dma_semaphore, #tpu.memory_space<semaphore_mem>>
        %dma_start3A_565 = tpu.memref_squeeze %dma_start3A_564 : memref<1x!tpu.dma_semaphore, #tpu.memory_space<semaphore_mem>> -> memref<!tpu.dma_semaphore, #tpu.memory_space<semaphore_mem>>
        tpu.enqueue_indirect_dma source(%dma_start3A_563 : memref<2000000x64xf32, #tpu.memory_space<hbm>>) target(%dma_start3A_558 : memref<256x64xf32, #tpu.memory_space<vmem>>) offsets(%dma_start3A_560 : memref<256xi32, #tpu.memory_space<vmem>>) semaphore(%dma_start3A_565 : memref<!tpu.dma_semaphore, #tpu.memory_space<semaphore_mem>>)
      } else {
      }
      %add3A_441 = arith.constant 3 : i32
      %add3A_442 = arith.addi %mul3A_240, %add3A_441 : i32
      %jit3A_443 = arith.constant 2 : i32
      %div3A_444 = arith.divsi %add3A_442, %jit3A_443 : i32
      %sign3A_445 = arith.constant 0 : i32
      %sign3A_446 = arith.cmpi sgt, %add3A_442, %sign3A_445 : i32
      %sign3A_447 = arith.extui %sign3A_446 : i1 to i32
      %sign3A_448 = arith.constant 0 : i32
      %sign3A_449 = arith.cmpi slt, %add3A_442, %sign3A_448 : i32
      %sign3A_450 = arith.extui %sign3A_449 : i1 to i32
      %sign3A_451 = arith.subi %sign3A_447, %sign3A_450 : i32
      %sign3A_452 = arith.constant 0 : i32
      %sign3A_453 = arith.cmpi sgt, %jit3A_443, %sign3A_452 : i32
      %sign3A_454 = arith.extui %sign3A_453 : i1 to i32
      %sign3A_455 = arith.constant 0 : i32
      %sign3A_456 = arith.cmpi slt, %jit3A_443, %sign3A_455 : i32
      %sign3A_457 = arith.extui %sign3A_456 : i1 to i32
      %sign3A_458 = arith.subi %sign3A_454, %sign3A_457 : i32
      %ne3A_459 = arith.cmpi ne, %sign3A_451, %sign3A_458 : i32
      %rem3A_460 = arith.remsi %add3A_442, %jit3A_443 : i32
      %ne3A_461 = arith.constant 0 : i32
      %ne3A_462 = arith.cmpi ne, %rem3A_460, %ne3A_461 : i32
      %and3A_463 = arith.andi %ne3A_459, %ne3A_462 : i1
      %sub3A_464 = arith.constant 1 : i32
      %sub3A_465 = arith.subi %div3A_444, %sub3A_464 : i32
      %select_n3A_466 = arith.select %and3A_463, %sub3A_465, %div3A_444 : i32
      %jit3A_467 = arith.constant 2 : i32
      %eq3A_468 = arith.constant 0 : i32
      %eq3A_469 = arith.cmpi eq, %jit3A_467, %eq3A_468 : i32
      %jit3A_470 = arith.constant 1 : i32
      %select_n3A_471 = arith.select %eq3A_469, %jit3A_470, %jit3A_467 : i32
      %rem3A_472 = arith.remsi %add3A_442, %select_n3A_471 : i32
      %ne3A_473 = arith.constant 0 : i32
      %ne3A_474 = arith.cmpi ne, %rem3A_472, %ne3A_473 : i32
      %lt3A_475 = arith.constant 0 : i32
      %lt3A_476 = arith.cmpi slt, %rem3A_472, %lt3A_475 : i32
      %lt3A_477 = arith.constant 0 : i32
      %lt3A_478 = arith.cmpi slt, %select_n3A_471, %lt3A_477 : i32
      %ne3A_479 = arith.xori %lt3A_476, %lt3A_478 : i1
      %and3A_480 = arith.andi %ne3A_479, %ne3A_474 : i1
      %add3A_481 = arith.addi %rem3A_472, %select_n3A_471 : i32
      %select_n3A_482 = arith.select %and3A_480, %add3A_481, %rem3A_472 : i32
      %mul3A_483 = arith.constant 256 : i32
      %mul3A_484 = arith.muli %select_n3A_482, %mul3A_483 : i32
      %dma_wait3A_485 = arith.constant 3 : i32
      %dma_wait3A_486 = arith.constant 3 : i32
      %dma_wait3A_487 = arith.constant 0 : i32
      %dma_wait3A_488 = arith.constant 0 : i32
      %dma_wait3A_489 = tpu.memref_slice %arg7[%dma_wait3A_485, %dma_wait3A_487, %dma_wait3A_488] : memref<4x256x64xf32, #tpu.memory_space<vmem>> -> memref<1x256x64xf32, #tpu.memory_space<vmem>>
      %dma_wait3A_490 = tpu.memref_squeeze %dma_wait3A_489 : memref<1x256x64xf32, #tpu.memory_space<vmem>> -> memref<256x64xf32, #tpu.memory_space<vmem>>
      %dma_wait3A_491 = tpu.memref_slice %arg6[%select_n3A_466, %mul3A_484] : memref<26x512xi32, #tpu.memory_space<vmem>> -> memref<1x256xi32, #tpu.memory_space<vmem>>
      %dma_wait3A_492 = tpu.memref_squeeze %dma_wait3A_491 : memref<1x256xi32, #tpu.memory_space<vmem>> -> memref<256xi32, #tpu.memory_space<vmem>>
      %dma_wait3A_493 = arith.constant 0 : i32
      %dma_wait3A_494 = arith.constant 0 : i32
      %dma_wait3A_495 = tpu.memref_slice %arg3[%dma_wait3A_493, %dma_wait3A_494] : memref<2000000x64xf32, #tpu.memory_space<hbm>> -> memref<2000000x64xf32, #tpu.memory_space<hbm>>
      %dma_wait3A_496 = tpu.memref_slice %arg8[%dma_wait3A_486] : memref<4x!tpu.dma_semaphore, #tpu.memory_space<semaphore_mem>> -> memref<1x!tpu.dma_semaphore, #tpu.memory_space<semaphore_mem>>
      %dma_wait3A_497 = tpu.memref_squeeze %dma_wait3A_496 : memref<1x!tpu.dma_semaphore, #tpu.memory_space<semaphore_mem>> -> memref<!tpu.dma_semaphore, #tpu.memory_space<semaphore_mem>>
      tpu.wait_indirect_dma semaphore(%dma_wait3A_497 : memref<!tpu.dma_semaphore, #tpu.memory_space<semaphore_mem>>) src(%dma_wait3A_495 : memref<2000000x64xf32, #tpu.memory_space<hbm>>) dst(%dma_wait3A_490 : memref<256x64xf32, #tpu.memory_space<vmem>>)
      %mul3A_498 = arith.constant 256 : i32
      %mul3A_499 = arith.muli %select_n3A_482, %mul3A_498 : i32
      %add3A_500 = arith.addi %mul3A_2, %mul3A_499 : i32
      %run_scoped3A_501 = arith.constant 3 : i32
      "tpu.region"() ({
        %run_scoped3A_509 = tpu.sem_alloc : memref<!tpu.dma_semaphore, #tpu.memory_space<semaphore_mem>>
        %dma_start3A_510 = arith.constant 0 : i32
        %dma_start3A_511 = arith.constant 0 : i32
        %dma_start3A_512 = tpu.memref_slice %arg7[%run_scoped3A_501, %dma_start3A_510, %dma_start3A_511] : memref<4x256x64xf32, #tpu.memory_space<vmem>> -> memref<1x256x64xf32, #tpu.memory_space<vmem>>
        %dma_start3A_513 = tpu.memref_squeeze %dma_start3A_512 : memref<1x256x64xf32, #tpu.memory_space<vmem>> -> memref<256x64xf32, #tpu.memory_space<vmem>>
        %dma_start3A_514 = arith.constant 0 : i32
        %dma_start3A_515 = tpu.memref_slice %arg4[%add3A_500, %select_n3A_466, %dma_start3A_514] : memref<16384x26x64xf32, #tpu.memory_space<hbm>> -> memref<256x1x64xf32, #tpu.memory_space<hbm>>
        %dma_start3A_516 = tpu.memref_squeeze %dma_start3A_515 : memref<256x1x64xf32, #tpu.memory_space<hbm>> -> memref<256x64xf32, #tpu.memory_space<hbm>>
        %dma_start3A_517 = arith.constant 0 : i32
        %dma_start3A_518 = tpu.memref_slice %arg4[%add3A_500, %select_n3A_466, %dma_start3A_517] : memref<16384x26x64xf32, #tpu.memory_space<hbm>> -> memref<256x1x64xf32, #tpu.memory_space<hbm>>
        %dma_start3A_519 = tpu.memref_squeeze %dma_start3A_518 : memref<256x1x64xf32, #tpu.memory_space<hbm>> -> memref<256x64xf32, #tpu.memory_space<hbm>>
        %dma_start3A_520 = arith.constant 0 : i32
        %dma_start3A_521 = arith.constant 0 : i32
        %dma_start3A_522 = tpu.memref_slice %arg7[%run_scoped3A_501, %dma_start3A_520, %dma_start3A_521] : memref<4x256x64xf32, #tpu.memory_space<vmem>> -> memref<1x256x64xf32, #tpu.memory_space<vmem>>
        %dma_start3A_523 = tpu.memref_squeeze %dma_start3A_522 : memref<1x256x64xf32, #tpu.memory_space<vmem>> -> memref<256x64xf32, #tpu.memory_space<vmem>>
        tpu.enqueue_dma source(%dma_start3A_523 : memref<256x64xf32, #tpu.memory_space<vmem>>) target(%dma_start3A_519 : memref<256x64xf32, #tpu.memory_space<hbm>>) target_semaphore(%run_scoped3A_509 : memref<!tpu.dma_semaphore, #tpu.memory_space<semaphore_mem>>)
        %dma_wait3A_524 = arith.constant 0 : i32
        %dma_wait3A_525 = arith.constant 0 : i32
        %dma_wait3A_526 = tpu.memref_slice %arg7[%run_scoped3A_501, %dma_wait3A_524, %dma_wait3A_525] : memref<4x256x64xf32, #tpu.memory_space<vmem>> -> memref<1x256x64xf32, #tpu.memory_space<vmem>>
        %dma_wait3A_527 = tpu.memref_squeeze %dma_wait3A_526 : memref<1x256x64xf32, #tpu.memory_space<vmem>> -> memref<256x64xf32, #tpu.memory_space<vmem>>
        %dma_wait3A_528 = arith.constant 0 : i32
        %dma_wait3A_529 = tpu.memref_slice %arg4[%add3A_500, %select_n3A_466, %dma_wait3A_528] : memref<16384x26x64xf32, #tpu.memory_space<hbm>> -> memref<256x1x64xf32, #tpu.memory_space<hbm>>
        %dma_wait3A_530 = tpu.memref_squeeze %dma_wait3A_529 : memref<256x1x64xf32, #tpu.memory_space<hbm>> -> memref<256x64xf32, #tpu.memory_space<hbm>>
        %dma_wait3A_531 = arith.constant 0 : i32
        %dma_wait3A_532 = tpu.memref_slice %arg4[%add3A_500, %select_n3A_466, %dma_wait3A_531] : memref<16384x26x64xf32, #tpu.memory_space<hbm>> -> memref<256x1x64xf32, #tpu.memory_space<hbm>>
        %dma_wait3A_533 = tpu.memref_squeeze %dma_wait3A_532 : memref<256x1x64xf32, #tpu.memory_space<hbm>> -> memref<256x64xf32, #tpu.memory_space<hbm>>
        %dma_wait3A_534 = arith.constant 0 : i32
        %dma_wait3A_535 = arith.constant 0 : i32
        %dma_wait3A_536 = tpu.memref_slice %arg7[%run_scoped3A_501, %dma_wait3A_534, %dma_wait3A_535] : memref<4x256x64xf32, #tpu.memory_space<vmem>> -> memref<1x256x64xf32, #tpu.memory_space<vmem>>
        %dma_wait3A_537 = tpu.memref_squeeze %dma_wait3A_536 : memref<1x256x64xf32, #tpu.memory_space<vmem>> -> memref<256x64xf32, #tpu.memory_space<vmem>>
        tpu.wait_dma2 semaphore(%run_scoped3A_509 : memref<!tpu.dma_semaphore, #tpu.memory_space<semaphore_mem>>) src(%dma_wait3A_537 : memref<256x64xf32, #tpu.memory_space<vmem>>) dst(%dma_wait3A_533 : memref<256x64xf32, #tpu.memory_space<hbm>>)
        tpu.yield
      }) : () -> ()
      %add3A_502 = arith.constant 4 : i32
      %add3A_503 = arith.addi %add3A_442, %add3A_502 : i32
      %lt3A_504 = arith.constant 52 : i32
      %lt3A_505 = arith.cmpi slt, %add3A_503, %lt3A_504 : i32
      %convert_element_type3A_506 = arith.extui %lt3A_505 : i1 to i32
      %cond3A_507 = arith.constant 0 : i32
      %cond3A_508 = arith.cmpi ne, %convert_element_type3A_506, %cond3A_507 : i32
      scf.if %cond3A_508 {
        %add3A_509 = arith.constant 4 : i32
        %add3A_510 = arith.addi %add3A_442, %add3A_509 : i32
        %jit3A_511 = arith.constant 2 : i32
        %div3A_512 = arith.divsi %add3A_510, %jit3A_511 : i32
        %sign3A_513 = arith.constant 0 : i32
        %sign3A_514 = arith.cmpi sgt, %add3A_510, %sign3A_513 : i32
        %sign3A_515 = arith.extui %sign3A_514 : i1 to i32
        %sign3A_516 = arith.constant 0 : i32
        %sign3A_517 = arith.cmpi slt, %add3A_510, %sign3A_516 : i32
        %sign3A_518 = arith.extui %sign3A_517 : i1 to i32
        %sign3A_519 = arith.subi %sign3A_515, %sign3A_518 : i32
        %sign3A_520 = arith.constant 0 : i32
        %sign3A_521 = arith.cmpi sgt, %jit3A_511, %sign3A_520 : i32
        %sign3A_522 = arith.extui %sign3A_521 : i1 to i32
        %sign3A_523 = arith.constant 0 : i32
        %sign3A_524 = arith.cmpi slt, %jit3A_511, %sign3A_523 : i32
        %sign3A_525 = arith.extui %sign3A_524 : i1 to i32
        %sign3A_526 = arith.subi %sign3A_522, %sign3A_525 : i32
        %ne3A_527 = arith.cmpi ne, %sign3A_519, %sign3A_526 : i32
        %rem3A_528 = arith.remsi %add3A_510, %jit3A_511 : i32
        %ne3A_529 = arith.constant 0 : i32
        %ne3A_530 = arith.cmpi ne, %rem3A_528, %ne3A_529 : i32
        %and3A_531 = arith.andi %ne3A_527, %ne3A_530 : i1
        %sub3A_532 = arith.constant 1 : i32
        %sub3A_533 = arith.subi %div3A_512, %sub3A_532 : i32
        %select_n3A_534 = arith.select %and3A_531, %sub3A_533, %div3A_512 : i32
        %jit3A_535 = arith.constant 2 : i32
        %eq3A_536 = arith.constant 0 : i32
        %eq3A_537 = arith.cmpi eq, %jit3A_535, %eq3A_536 : i32
        %jit3A_538 = arith.constant 1 : i32
        %select_n3A_539 = arith.select %eq3A_537, %jit3A_538, %jit3A_535 : i32
        %rem3A_540 = arith.remsi %add3A_510, %select_n3A_539 : i32
        %ne3A_541 = arith.constant 0 : i32
        %ne3A_542 = arith.cmpi ne, %rem3A_540, %ne3A_541 : i32
        %lt3A_543 = arith.constant 0 : i32
        %lt3A_544 = arith.cmpi slt, %rem3A_540, %lt3A_543 : i32
        %lt3A_545 = arith.constant 0 : i32
        %lt3A_546 = arith.cmpi slt, %select_n3A_539, %lt3A_545 : i32
        %ne3A_547 = arith.xori %lt3A_544, %lt3A_546 : i1
        %and3A_548 = arith.andi %ne3A_547, %ne3A_542 : i1
        %add3A_549 = arith.addi %rem3A_540, %select_n3A_539 : i32
        %select_n3A_550 = arith.select %and3A_548, %add3A_549, %rem3A_540 : i32
        %mul3A_551 = arith.constant 256 : i32
        %mul3A_552 = arith.muli %select_n3A_550, %mul3A_551 : i32
        %dma_start3A_553 = arith.constant 3 : i32
        %dma_start3A_554 = arith.constant 3 : i32
        %dma_start3A_555 = arith.constant 0 : i32
        %dma_start3A_556 = arith.constant 0 : i32
        %dma_start3A_557 = tpu.memref_slice %arg7[%dma_start3A_553, %dma_start3A_555, %dma_start3A_556] : memref<4x256x64xf32, #tpu.memory_space<vmem>> -> memref<1x256x64xf32, #tpu.memory_space<vmem>>
        %dma_start3A_558 = tpu.memref_squeeze %dma_start3A_557 : memref<1x256x64xf32, #tpu.memory_space<vmem>> -> memref<256x64xf32, #tpu.memory_space<vmem>>
        %dma_start3A_559 = tpu.memref_slice %arg6[%select_n3A_534, %mul3A_552] : memref<26x512xi32, #tpu.memory_space<vmem>> -> memref<1x256xi32, #tpu.memory_space<vmem>>
        %dma_start3A_560 = tpu.memref_squeeze %dma_start3A_559 : memref<1x256xi32, #tpu.memory_space<vmem>> -> memref<256xi32, #tpu.memory_space<vmem>>
        %dma_start3A_561 = arith.constant 0 : i32
        %dma_start3A_562 = arith.constant 0 : i32
        %dma_start3A_563 = tpu.memref_slice %arg3[%dma_start3A_561, %dma_start3A_562] : memref<2000000x64xf32, #tpu.memory_space<hbm>> -> memref<2000000x64xf32, #tpu.memory_space<hbm>>
        %dma_start3A_564 = tpu.memref_slice %arg8[%dma_start3A_554] : memref<4x!tpu.dma_semaphore, #tpu.memory_space<semaphore_mem>> -> memref<1x!tpu.dma_semaphore, #tpu.memory_space<semaphore_mem>>
        %dma_start3A_565 = tpu.memref_squeeze %dma_start3A_564 : memref<1x!tpu.dma_semaphore, #tpu.memory_space<semaphore_mem>> -> memref<!tpu.dma_semaphore, #tpu.memory_space<semaphore_mem>>
        tpu.enqueue_indirect_dma source(%dma_start3A_563 : memref<2000000x64xf32, #tpu.memory_space<hbm>>) target(%dma_start3A_558 : memref<256x64xf32, #tpu.memory_space<vmem>>) offsets(%dma_start3A_560 : memref<256xi32, #tpu.memory_space<vmem>>) semaphore(%dma_start3A_565 : memref<!tpu.dma_semaphore, #tpu.memory_space<semaphore_mem>>)
      } else {
      }
    }
    %scan3A_237 = arith.constant 13 : i32
    return
  }
}

</mosaic_0001>

<sc_bundles>
// kernel: _embedding_gather.3.cloned.1.call-start
scs
__scs_entry_jumppad:
0x0: {  	(pc) =	sbr.rel $0x88, $3  }
0x1: {  	(tag) =	ssettag $0x0;
	lr =	simm.s32 $0x1  }
0x2: {  	[smem:$0x3F9F] =	sst lr;
	_ =	strace $0xD0000000  }
0x3: {  	_ = 	snop  }
0x4: {  	_ = 	snop  }
0x5: {  	_ = 	snop  }
0x6: {  	_ = 	snop  }
0x7: {  	_ = 	snop  }
__scs_overlays_trampoline_lowered:
0x8: {  	[smem:$0x3FAE] =	sst s0  }
0x9: {  	[smem:$0x3FAF] =	sst s1  }
0xa: {  	[smem:$0x3FB0] =	sst s2  }
0xb: {  	[smem:$0x3FB1] =	sst s3  }
0xc: {  	[smem:$0x3FB2] =	sst s4  }
0xd: {  	[smem:$0x3FB3] =	sst s5  }
0xe: {  	[smem:$0x3FB4] =	sst s6  }
0xf: {  	[smem:$0x3FB5] =	sst s7  }
0x10: {  	[smem:$0x3FB6] =	sst s8  }
0x11: {  	[smem:$0x3FB7] =	sst s9;
	s0 =	simm.s32 @!p0 $0x0  }
0x12: {  	s1 =	sld [smem:$0x3F9D];
	s0 =	simm.s32 @p0 $0x1  }
0x13: {  	[smem:$0x3FB8] =	sst s0;
	s0 =	simm.s32 @!p1 $0x0  }
0x14: {  	s2 =	sld [smem:$0x3F9C];
	s0 =	simm.s32 @p1 $0x1  }
0x15: {  	[smem:$0x3FB9] =	sst s0;
	s0 =	simm.s32 @!p2 $0x0  }
0x16: {  	s3 =	sld [smem:$0x3FDB];
	s0 =	simm.s32 @p2 $0x1  }
0x17: {  	s4 =	simm.s32 $0x1BF5;
	[smem:$0x3FBB] =	sst s0  }
0x18: {  	s0 =	sld [smem:$0x3F9E];
	_ =	swait.ge [sflag:s4], $0x0  }
0x19: {  	s7 =	sld [smem:$0x3F9F]  }
0x1a: {  	s8 =	sadd.s32 $0xFFFFE003, lr  }
0x1b: {  	s9 =	sadd.s32 $0xFFFFFEF7, lr;
	s5 =	simm.s32 $0xFFFFFFFF;
	p2 =	slt.u32 s8, $0xFFFFF086  }
0x1c: {  	p1 =	slt.u32 s9, $0xF7A;
	s5 =	simm.s32 @!p2 $0x0  }
0x1d: {  	s5 =	simm.s32 @p1 $0x1;
	p0 =	seq.s32 s7, s2  }
0x1e: {  	s7 =	smul.u32 @!p0 $0xF7A, s2;
	p2 =	seq.s32 @!p0 s5, $0x0  }
0x1f: {  	s9 =	smul.u32 $0xF7A, s1;
	s8 =	simm.s32 @!p0 $0x1BF5;
	p2 =	por !p2, p0  }
0x20: {  	[sflag:s8] =	ssyncset.s32 @!p0 $0xFFFFF086;
	s6 =	sadd.s32 @!p0 s3, s7;
	s7 =	simm.s32 @!p0 $0x108  }
0x21: {  	s3 =	sadd.s32 s3, s9;
	s6 =	sadd.s32 @!p0 $0x88, s6;
	s7 =	simm.s32 @p2 $0x1082  }
0x22: {  	[simem:s7], [sflag:s8] =	dma.local @!p0 [hbm:s6], $0xF7A  }
0x23: {  	s9 =	sor.u32 $0xD0000000, s2;
	s6 =	simm.s32 $0x108;
	_ =	swait.ge @!p0 [sflag:s8], $0x0  }
0x24: {  	s3 =	sadd.s32 $0x88, s3;
	s6 =	simm.s32 @!p1 $0x1082;
	[sflag:s4] =	ssyncset.s32 $0xFFFFF086  }
0x25: {  	[simem:s6], [sflag:s4] =	dma.local [hbm:s3], $0xF7A  }
0x26: {  	[smem:$0x3F9F] =	sst s1;
	(tag) =	ssettag s2;
	_ =	strace s9  }
0x27: {  	s1 =	sld [smem:$0x3FAF]  }
0x28: {  	s2 =	sld [smem:$0x3FB0]  }
0x29: {  	s4 =	sld [smem:$0x3FB2]  }
0x2a: {  	p0 =	seq.s32 s5, $0x0;
	s5 =	sld [smem:$0x3FB3]  }
0x2b: {  	s6 =	sld [smem:$0x3FB4]  }
0x2c: {  	s7 =	sld [smem:$0x3FB5]  }
0x2d: {  	s3 =	simm.s32 $0x108;
	s8 =	sld [smem:$0x3FB6]  }
0x2e: {  	s3 =	simm.s32 @!p0 $0x1082;
	s9 =	sld [smem:$0x3FB7]  }
0x2f: {  	lr =	sadd.s32 s0, s3;
	s0 =	sld [smem:$0x3FAE]  }
0x30: {  	s3 =	sld [smem:$0x3FB1]  }
0x31: {  	[smem:$0x3FBA] =	sst s10  }
0x32: {  	s10 =	sld [smem:$0x3FB8];
	_ =	sdelay $0x3  }
0x33: {  	p0 =	seq.s32 s10, $0x1;
	s10 =	sld [smem:$0x3FBA];
	_ =	sdelay $0x3  }
0x34: {  	[smem:$0x3FBA] =	sst s10  }
0x35: {  	s10 =	sld [smem:$0x3FB9];
	_ =	sdelay $0x3  }
0x36: {  	p1 =	seq.s32 s10, $0x1;
	s10 =	sld [smem:$0x3FBA];
	_ =	sdelay $0x3  }
0x37: {  	[smem:$0x3FBA] =	sst s10  }
0x38: {  	s10 =	sld [smem:$0x3FBB]  }
0x39: {  	_ = 	snop;
	(pc) =	sbr.ind lr, $3  }
0x3a: {  	_ = 	snop  }
0x3b: {  	_ = 	snop  }
0x3c: {  	p2 =	seq.s32 s10, $0x1;
	s10 =	sld [smem:$0x3FBA]  }
0x3d: {  	_ =	shalt  }
0x3e: {  	_ =	shalt  }
0x3f: {  	_ =	shalt  }
0x40: {  	_ =	shalt  }
0x41: {  	_ =	shalt  }
0x42: {  	_ =	shalt  }
0x43: {  	_ =	shalt  }
0x44: {  	_ =	shalt  }
0x45: {  	_ =	shalt  }
0x46: {  	_ =	shalt  }
0x47: {  	_ =	shalt  }
0x48: {  	_ =	shalt  }
0x49: {  	_ =	shalt  }
0x4a: {  	_ =	shalt  }
0x4b: {  	_ =	shalt  }
0x4c: {  	_ =	shalt  }
0x4d: {  	_ =	shalt  }
0x4e: {  	_ =	shalt  }
0x4f: {  	_ =	shalt  }
0x50: {  	_ =	shalt  }
0x51: {  	_ =	shalt  }
0x52: {  	_ =	shalt  }
0x53: {  	_ =	shalt  }
0x54: {  	_ =	shalt  }
0x55: {  	_ =	shalt  }
0x56: {  	_ =	shalt  }
0x57: {  	_ =	shalt  }
0x58: {  	_ =	shalt  }
0x59: {  	_ =	shalt  }
0x5a: {  	_ =	shalt  }
0x5b: {  	_ =	shalt  }
0x5c: {  	_ =	shalt  }
0x5d: {  	_ =	shalt  }
0x5e: {  	_ =	shalt  }
0x5f: {  	_ =	shalt  }
0x60: {  	_ =	shalt  }
0x61: {  	_ =	shalt  }
0x62: {  	_ =	shalt  }
0x63: {  	_ =	shalt  }
0x64: {  	_ =	shalt  }
0x65: {  	_ =	shalt  }
0x66: {  	_ =	shalt  }
0x67: {  	_ =	shalt  }
0x68: {  	_ =	shalt  }
0x69: {  	_ =	shalt  }
0x6a: {  	_ =	shalt  }
0x6b: {  	_ =	shalt  }
0x6c: {  	_ =	shalt  }
0x6d: {  	_ =	shalt  }
0x6e: {  	_ =	shalt  }
0x6f: {  	_ =	shalt  }
0x70: {  	_ =	shalt  }
0x71: {  	_ =	shalt  }
0x72: {  	_ =	shalt  }
0x73: {  	_ =	shalt  }
0x74: {  	_ =	shalt  }
0x75: {  	_ =	shalt  }
0x76: {  	_ =	shalt  }
0x77: {  	_ =	shalt  }
0x78: {  	_ =	shalt  }
0x79: {  	_ =	shalt  }
0x7a: {  	_ =	shalt  }
0x7b: {  	_ =	shalt  }
0x7c: {  	_ =	shalt  }
0x7d: {  	_ =	shalt  }
0x7e: {  	_ =	shalt  }
0x7f: {  	_ =	shalt  }
0x80: {  	_ =	shalt  }
0x81: {  	_ =	shalt  }
0x82: {  	_ =	shalt  }
0x83: {  	_ =	shalt  }
0x84: {  	_ =	shalt  }
0x85: {  	_ =	shalt  }
0x86: {  	_ =	shalt  }
0x87: {  	_ =	shalt  }
.Lfunc_end0:
.L_simem_size_0:
called_computation.1_lowered:
.L_overlay_start_0:
0x88: {  	s2 =	sld [smem:$0x3FD9]  }
0x89: {  	s3 =	sld [smem:$0x3FFE];
	_ =	sdelay $0x1  }
0x8a: {  	s1 =	srdreg.scid  }
0x8b: {  	s0 =	sand.u32 $0x1, s1  }
0x8c: {  	s17 =	sshll.u32 s0, $0xA;
	s2 =	sadd.s32 s3, s2  }
0x8d: {  	s2 =	sadd.s32 s2, s17  }
0x8e: {  	[smem:$0x3FC6] =	sst s2  }
0x8f: {  	_ = 	snop  }
0x90: {  	s2 =	sld [smem:$0x3FC9]  }
0x91: {  	s18 =	sld [smem:$0x3FD0];
	(tm) =	ssettm $0x1  }
0x92: {  	s4 =	sld [smem:$0x3FFB];
	_ =	sdelay $0x3  }
0x93: {  	_ =	strace s4  }
0x94: {  	s4 =	sld [smem:$0x3FFC];
	_ =	sdelay $0x3  }
0x95: {  	_ =	strace s4  }
0x96: {  	s4 =	sld [smem:$0x3FFD];
	_ =	sdelay $0x3  }
0x97: {  	_ =	strace s4  }
0x98: {  	_ =	strace $0x8FFFFFFF  }
0x99: {  	s19 =	sld [smem:$0x3FDB];
	_ =	sdelay $0x1  }
0x9a: {  	s5 =	simm.s32 $_scs_section_size  }
0x9b: {  	s6 =	simm.s32 $_size__tile_overlayer_lowered;
	s7 =	simm.s32 $_tile_overlayer_lowered  }
0x9c: {  	s22 =	simm.s32 $0x1BFF;
	s21 =	sshll.u32 s7, $0x1;
	s4 =	sadd.s32 s5, s19  }
0x9d: {  	s8 =	simm.s32 $0x0;
	s20 =	sshll.u32 s6, $0x1;
	s6 =	sadd.s32 s21, s4  }
0x9e: {  	[timem:s8], [sflag:s22] =	dma.local [hbm:s6], s20  }
0x9f: {  	_ =	swait.ge [sflag:s22], s20  }
0xa0: {  	s5 =	ssub.s32 $0x0, s20;
	[sflag:s22] =	ssyncset.done $0x0  }
0xa1: {  	[sflag:s22] =	ssyncadd.s32 s5;
	_ =	sdelay $0x1  }
0xa2: {  	s23 =	simm.s32 $0x1B8B  }
0xa3: {  	_ =	swait.ge [sflag:s23], $0x1  }
0xa4: {  	[sflag:s23] =	ssyncset.done $0x0  }
0xa5: {  	s25 =	simm.s32 $0x1B8E;
	s24 =	sld [smem:$0x3FFE];
	[sflag:s23] =	ssyncadd.s32 $0xFFFFFFFF  }
0xa6: {  	s26 =	simm.s32 $execute0_lowered;
	[smem:$0x3FD2] =	sst s25  }
0xa7: {  	s6 =	sshll.u32 s26, $0x1;
	_ =	strace $0x80000046;
	[dreg:$0x1] =	wrdreg $0xFFFFFFFF  }
0xa8: {  	s28 =	simm.s32 $_size_execute0_lowered;
	s4 =	sadd.s32 s4, s6;
	[dreg:$0x0] =	wrdreg $0x0  }
0xa9: {  	s6 =	sshll.u32 s28, $0x1;
	[dreg:$0x2] =	wrdreg s4  }
0xaa: {  	[dreg:$0x3] =	wrdreg s6  }
0xab: {  	[dreg:$0x4] =	wrdreg $0xC0  }
0xac: {  	_ =	task [dreg:s8], $0x5FFFF  }
0xad: {  	[dreg:$0x1] =	wrdreg $0xFFFFFFFF  }
0xae: {  	[dreg:$0x0] =	wrdreg $0x60  }
0xaf: {  	[dreg:$0x2] =	wrdreg s2  }
0xb0: {  	[dreg:$0x3] =	wrdreg s24  }
0xb1: {  	[dreg:$0x4] =	wrdreg s18  }
0xb2: {  	[dreg:$0x5] =	wrdreg $0x9  }
0xb3: {  	_ =	task.clear_ibuf [dreg:s8], $0x6FFFF;
	_ =	strace $0x90000046  }
0xb4: {  	s29 =	simm.s32 $0x9;
	_ =	strace $0x80000048  }
0xb5: {  	_ =	swait.ge [sflag:s29], $0x1  }
0xb6: {  	[sflag:s29] =	ssyncadd.s32 $0xFFFFFFFF  }
0xb7: {  	_ =	strace $0x90000048  }
0xb8: {  	_ =	sfence  }
0xb9: {  	s30 =	sld [smem:$0x0];
	_ =	sdelay $0x2  }
0xba: {  	s31 =	sshll.u32 s1, $0xD;
	s1 =	sshrl.u32 s1, $0x2  }
0xbb: {  	s3 =	sand.u32 $0x4000, s31;
	s1 =	sadd.s32 s1, s30  }
0xbc: {  	s0 =	sor.u32 s3, s0;
	s1 =	sshll.u32 s1, $0x11  }
0xbd: {  	s0 =	sor.u32 s1, s0  }
0xbe: {  	s0 =	sadd.s32 $0x8F2B, s0  }
0xbf: {  	[sflag:s0] =	ssyncadd.remote.s32 $0x1  }
0xc0: {  	_ =	sfence.sel $0xFFFF  }
0xc1: {  	[dreg:$0x0] =	wrdreg $0xFFFFFFFF;
	(pc) =	sbr.abs _section_cstart, $3  }
0xc2: {  	[dreg:$0x1] =	wrdreg $0xFFFFFFFF  }
0xc3: {  	_ =	task.clear_ibuf [dreg:s8], $0x2FFFF;
	_ =	strace $0x9FFFFFFF  }
0xc4: {  	(tm) =	ssettm $0x7FFFFFFF  }
0xc5: {  	_ =	shalt  }
tec
execute0_lowered:
.L_overlay_start_1:
0x0: {  	(tag) =	ssettag $0x1  }
0x1: {  	s0 =	rddreg [dreg:$0x0]  }
0x2: {  	s1 =	rddreg [dreg:$0x1]  }
0x3: {  	s14 =	rddreg [dreg:$0x2]  }
0x4: {  	s3 =	srdreg.scid;
	s2 =	simm.s32 $0x0;
	s8 =	stileid.u32  }
0x5: {  	s15 =	simm.s32 $0x5;
	s16 =	simm.s32 $0x100;
	s18 =	simm.s32 $0xB400  }
0x6: {  	s28 =	simm.s32 $0x680;
	s29 =	simm.s32 $0x2;
	s30 =	simm.s32 $0x3  }
0x7: {  	s31 =	simm.s32 $0x4;
	s5 =	sand.u32 $0x1, s3;
	[smem:$0x7FF] =	sst s2  }
0x8: {  	s20 =	sshll.u32 s8, $0xA;
	s3 =	sadd.s32 $0x1E85000, s1;
	s9 =	smul.u32 $0x1A0000, s8  }
0x9: {  	s4 =	sshll.u32 s5, $0x9;
	_ =	strace $0x80000047;
	s6 =	ssub.s32 $0x2, s5  }
0xa: {  	s10 =	smul.u32 $0xD0000, s5;
	s4 =	sor.u32 s4, s20;
	s21 =	sshrl.u32 s6, $0x1  }
0xb: {  	s20 =	simm.s32 $0xF400;
	s7 =	smul.u32 $0x680, s4;
	s4 =	sshll.u32 s4, $0x4  }
0xc: {  	s1 =	ssub.s32 s6, s21;
	s23 =	sadd.s32 s10, s9;
	s4 =	sadd.s32 s0, s4  }
0xd: {  	s6 =	smax.u32 s1, $0x1;
	s24 =	sadd.s32 $0x68040, s23;
	s12 =	sor.u32 $0x40, s23  }
0xe: {  	s13 =	sadd.s32 $0x68000, s23;
	s26 =	sshrl.u32 s23, $0x3;
	s22 =	sshrl.u32 s7, $0x3  }
0xf: {  	s5 =	sadd.s32 $0x1000, s4;
	s25 =	sshrl.u32 s12, $0x3;
	s13 =	sshrl.u32 s13, $0x3  }
0x10: {  	s0 =	sadd.s32 s22, s14;
	s12 =	sadd.s32 s25, s14;
	s13 =	sadd.s32 s13, s14  }
0x11: {  	s22 =	simm.s32 $0x13400;
	s7 =	sadd.s32 $0xC0, s0;
	s8 =	sadd.s32 $0xD0C0, s0  }
0x12: {  	s9 =	sadd.s32 $0xC8, s0;
	s10 =	sadd.s32 $0xD0C8, s0;
	s0 =	sshrl.u32 s24, $0x3  }
0x13: {  	v0 =	vlaneseq.u32;
	s25 =	simm.s32 $0x1;
	s24 =	simm.s32 $0x17400;
	s11 =	sadd.s32 s0, s14  }
0x14: {  	v0 =	vmul.u32 $0x80, v0;
	s14 =	sadd.s32 s26, s14;
	s26 =	simm.s32 $0x40;
	s0 =	simm.s32 $0x0  }
.LBB2_1:
0x15: {  	[tilespmem:s2], [sflag:$0x5] =	stream.linear.gather [hbm4b:s4+s2], $0x8000, $0x38;
	[tilespmem:$0x1B400] =	vst v63  }
0x16: {  	_ =	swait.ge [sflag:s15], $0x8000  }
0x17: {  	[sflag:s15] =	ssyncset.done $0x0  }
0x18: {  	s1 =	simm.s32 $0x8000;
	s17 =	simm.s32 $0x0;
	[sflag:s15] =	ssyncadd.s32 $0xFFFF8000  }
.LBB2_2:
0x19: {  	v1 =	vmov s17;
	s19 =	simm.s32 $0x0  }
0x1a: {  	v1 =	vand.u32 $0x1F, v1;
	v2 =	vmov s19  }
0x1b: {  	v1 =	vbroadcast v1, $0x0;
	v2 =	vshll.u32 v2, $0x7  }
0x1c: {  	v2 =	vor.u32 v0, v2  }
0x1d: {  	v2 =	vor.u32 v1, v2;
	_ =	sdelay $0x2  }
0x1e: {  	s21 =	simm.s32 $0x10  }
0x1f: {  	v3 =	vmov s21  }
0x20: {  	v3 =	vshll.u32 v3, $0x7;
	v2 =	vld.idx.msk [tilespmem:v2+s2+$0x0], $0xffff  }
0x21: {  	v3 =	vor.u32 v0, v3  }
0x22: {  	v4 =	vor.u32 v1, v3;
	_ =	sdelay $0x2  }
0x23: {  	v2 =	vshll.u32 v2, $0x1  }
0x24: {  	s23 =	simm.s32 $0x20;
	[tilespmem:s1+$0x0] =	vst v2  }
0x25: {  	s21 =	simm.s32 $0x30;
	s19 =	smov.u32 s1;
	v3 =	vmov s23;
	v2 =	vld.idx.msk [tilespmem:v4+s2+$0x0], $0xffff  }
.LBB2_3:
0x26: {  	p0 =	sne.s32 s21, $0xF0;
	v3 =	vshll.u32 v3, $0x7  }
0x27: {  	v3 =	vor.u32 v0, v3  }
0x28: {  	v4 =	vor.u32 v1, v3  }
.Ltmp0:
0x29: {  	(pc) =	sbr.rel @p0 .LBB2_3-.Ltmp0, $4  }
0x2a: {  	_ = 	snop  }
0x2b: {  	s19 =	sadd.s32 $0x10, s19;
	v2 =	vshll.u32 v2, $0x1  }
0x2c: {  	[tilespmem:s19+$0x0] =	vst v2  }
0x2d: {  	v3 =	vmov s21;
	s21 =	sadd.s32 $0x10, s21;
	v2 =	vld.idx.msk [tilespmem:v4+s2+$0x0], $0xffff  }
0x2e: {  	v3 =	vshll.u32 v3, $0x7  }
0x2f: {  	v3 =	vor.u32 v0, v3  }
0x30: {  	v1 =	vor.u32 v1, v3;
	_ =	sdelay $0x2  }
0x31: {  	s19 =	sadd.s32 $0x10, s19;
	v2 =	vshll.u32 v2, $0x1  }
0x32: {  	[tilespmem:s19+$0x0] =	vst v2  }
0x33: {  	s17 =	sadd.s32 $0x1, s17;
	v1 =	vld.idx.msk [tilespmem:v1+s2+$0x0], $0xffff  }
0x34: {  	p0 =	sne.s32 s17, $0x1A  }
.Ltmp1:
0x35: {  	_ = 	snop;
	(pc) =	sbr.rel @p0 .LBB2_2-.Ltmp1, $3  }
0x36: {  	_ =	sdelay $0x1  }
0x37: {  	s19 =	sadd.s32 $0x10, s19;
	v1 =	vshll.u32 v1, $0x1  }
0x38: {  	s1 =	sadd.s32 $0x200, s1;
	[tilespmem:s19+$0x0] =	vst v1  }
0x39: {  	s1 =	simm.s32 $0x0  }
0x3a: {  	[tilespmem:s1], [sflag:$0x5] =	stream.linear.gather [hbm4b:s5+s1], $0x8000, $0x38;
	[tilespmem:$0x1B400] =	vst v63  }
0x3b: {  	_ =	swait.ge [sflag:s15], $0x8000  }
0x3c: {  	[sflag:s15] =	ssyncset.done $0x0  }
0x3d: {  	s17 =	simm.s32 $0x8100;
	s19 =	simm.s32 $0x0;
	[sflag:s15] =	ssyncadd.s32 $0xFFFF8000  }
.LBB2_6:
0x3e: {  	v1 =	vmov s19  }
0x3f: {  	v2 =	vmov s1;
	v1 =	vand.u32 $0x1F, v1  }
0x40: {  	v2 =	vshll.u32 v2, $0x7;
	v1 =	vbroadcast v1, $0x0  }
0x41: {  	v2 =	vor.u32 v0, v2  }
0x42: {  	v2 =	vor.u32 v1, v2;
	_ =	sdelay $0x2  }
0x43: {  	s21 =	simm.s32 $0x10  }
0x44: {  	v3 =	vmov s21  }
0x45: {  	v3 =	vshll.u32 v3, $0x7;
	v2 =	vld.idx.msk [tilespmem:v2+s2+$0x0], $0xffff  }
0x46: {  	v3 =	vor.u32 v0, v3  }
0x47: {  	v4 =	vor.u32 v1, v3;
	_ =	sdelay $0x2  }
0x48: {  	v2 =	vshll.u32 v2, $0x1  }
0x49: {  	s23 =	simm.s32 $0x20;
	[tilespmem:s17+$0x0] =	vst v2  }
0x4a: {  	s21 =	smov.u32 s17;
	v3 =	vmov s23;
	s23 =	simm.s32 $0x30;
	v2 =	vld.idx.msk [tilespmem:v4+s2+$0x0], $0xffff  }
.LBB2_7:
0x4b: {  	p0 =	sne.s32 s23, $0xF0;
	v3 =	vshll.u32 v3, $0x7  }
0x4c: {  	v3 =	vor.u32 v0, v3  }
0x4d: {  	v4 =	vor.u32 v1, v3  }
.Ltmp2:
0x4e: {  	(pc) =	sbr.rel @p0 .LBB2_7-.Ltmp2, $4  }
0x4f: {  	_ = 	snop  }
0x50: {  	s21 =	sadd.s32 $0x10, s21;
	v2 =	vshll.u32 v2, $0x1  }
0x51: {  	[tilespmem:s21+$0x0] =	vst v2  }
0x52: {  	v3 =	vmov s23;
	s23 =	sadd.s32 $0x10, s23;
	v2 =	vld.idx.msk [tilespmem:v4+s2+$0x0], $0xffff  }
0x53: {  	v3 =	vshll.u32 v3, $0x7  }
0x54: {  	v3 =	vor.u32 v0, v3  }
0x55: {  	v1 =	vor.u32 v1, v3;
	_ =	sdelay $0x2  }
0x56: {  	s21 =	sadd.s32 $0x10, s21;
	v2 =	vshll.u32 v2, $0x1  }
0x57: {  	[tilespmem:s21+$0x0] =	vst v2  }
0x58: {  	s19 =	sadd.s32 $0x1, s19;
	v1 =	vld.idx.msk [tilespmem:v1+s2+$0x0], $0xffff  }
0x59: {  	p0 =	sne.s32 s19, $0x1A  }
.Ltmp3:
0x5a: {  	_ = 	snop;
	(pc) =	sbr.rel @p0 .LBB2_6-.Ltmp3, $3  }
0x5b: {  	_ =	sdelay $0x1  }
0x5c: {  	s21 =	sadd.s32 $0x10, s21;
	v1 =	vshll.u32 v1, $0x1  }
0x5d: {  	s17 =	sadd.s32 $0x200, s17;
	[tilespmem:s21+$0x0] =	vst v1  }
0x5e: {  	s1 =	simm.s32 $0x8000  }
0x5f: {  	[tilespmem:s18], [sflag:$0x1] =	stream.indirect.gather [hbm4b:s3+s16], $0x40, s1, s16, $0xb8;
	[tilespmem:$0x1B400] =	vst v63  }
0x60: {  	s21 =	simm.s32 $0x8100  }
0x61: {  	[tilespmem:s20], [sflag:$0x2] =	stream.indirect.gather [hbm4b:s3+s16], $0x40, s21, s16, $0xb8;
	[tilespmem:$0x1B400] =	vst v63  }
0x62: {  	s23 =	simm.s32 $0x8200  }
0x63: {  	[tilespmem:s22], [sflag:$0x3] =	stream.indirect.gather [hbm4b:s3+s16], $0x40, s23, s16, $0xb8;
	[tilespmem:$0x1B400] =	vst v63  }
0x64: {  	s17 =	simm.s32 $0x8300  }
0x65: {  	[tilespmem:s24], [sflag:$0x4] =	stream.indirect.gather [hbm4b:s3+s16], $0x40, s17, s16, $0xb8;
	[tilespmem:$0x1B400] =	vst v63  }
0x66: {  	_ =	swait.ge [sflag:s25], $0x4000  }
0x67: {  	[sflag:s25] =	ssyncset.done $0x0  }
0x68: {  	s19 =	sadd.s32 $0x0, s14;
	[sflag:s25] =	ssyncadd.s32 $0xFFFFC000  }
0x69: {  	[hbm4b:s19+s26] =	stream.strided.scatter [tilespmem:s18], [sflag:$0x5], $0x4000, s28, s26, $0x38;
	[tilespmem:$0x1B400] =	vst v63  }
0x6a: {  	_ =	swait.ge [sflag:s15], $0x4000  }
0x6b: {  	[sflag:s15] =	ssyncset.done $0x0  }
0x6c: {  	s21 =	simm.s32 $0x8400;
	[sflag:s15] =	ssyncadd.s32 $0xFFFFC000  }
0x6d: {  	[tilespmem:s18], [sflag:$0x1] =	stream.indirect.gather [hbm4b:s3+s16], $0x40, s21, s16, $0xb8;
	[tilespmem:$0x1B400] =	vst v63  }
0x6e: {  	_ =	swait.ge [sflag:s29], $0x4000  }
0x6f: {  	[sflag:s29] =	ssyncset.done $0x0  }
0x70: {  	s23 =	sadd.s32 $0x0, s13;
	[sflag:s29] =	ssyncadd.s32 $0xFFFFC000  }
0x71: {  	[hbm4b:s23+s26] =	stream.strided.scatter [tilespmem:s20], [sflag:$0x5], $0x4000, s28, s26, $0x38;
	[tilespmem:$0x1B400] =	vst v63  }
0x72: {  	_ =	swait.ge [sflag:s15], $0x4000  }
0x73: {  	[sflag:s15] =	ssyncset.done $0x0  }
0x74: {  	s17 =	simm.s32 $0x8500;
	[sflag:s15] =	ssyncadd.s32 $0xFFFFC000  }
0x75: {  	[tilespmem:s20], [sflag:$0x2] =	stream.indirect.gather [hbm4b:s3+s16], $0x40, s17, s16, $0xb8;
	[tilespmem:$0x1B400] =	vst v63  }
0x76: {  	_ =	swait.ge [sflag:s30], $0x4000  }
0x77: {  	[sflag:s30] =	ssyncset.done $0x0  }
0x78: {  	s19 =	sadd.s32 $0x0, s12;
	[sflag:s30] =	ssyncadd.s32 $0xFFFFC000  }
0x79: {  	[hbm4b:s19+s26] =	stream.strided.scatter [tilespmem:s22], [sflag:$0x5], $0x4000, s28, s26, $0x38;
	[tilespmem:$0x1B400] =	vst v63  }
0x7a: {  	_ =	swait.ge [sflag:s15], $0x4000  }
0x7b: {  	[sflag:s15] =	ssyncset.done $0x0  }
0x7c: {  	s21 =	simm.s32 $0x8600;
	[sflag:s15] =	ssyncadd.s32 $0xFFFFC000  }
0x7d: {  	[tilespmem:s22], [sflag:$0x3] =	stream.indirect.gather [hbm4b:s3+s16], $0x40, s21, s16, $0xb8;
	[tilespmem:$0x1B400] =	vst v63  }
0x7e: {  	_ =	swait.ge [sflag:s31], $0x4000  }
0x7f: {  	[sflag:s31] =	ssyncset.done $0x0  }
0x80: {  	s23 =	sadd.s32 $0x0, s11;
	[sflag:s31] =	ssyncadd.s32 $0xFFFFC000  }
0x81: {  	[hbm4b:s23+s26] =	stream.strided.scatter [tilespmem:s24], [sflag:$0x5], $0x4000, s28, s26, $0x38;
	[tilespmem:$0x1B400] =	vst v63  }
0x82: {  	_ =	swait.ge [sflag:s15], $0x4000  }
0x83: {  	s1 =	simm.s32 $0x8700;
	[sflag:s15] =	ssyncset.done $0x0  }
0x84: {  	s17 =	simm.s32 $0x10;
	s19 =	simm.s32 $0x8B00;
	[sflag:s15] =	ssyncadd.s32 $0xFFFFC000  }
.LBB2_10:
0x85: {  	[tilespmem:s24], [sflag:$0x4] =	stream.indirect.gather [hbm4b:s3+s16], $0x40, s1, s16, $0xb8;
	[tilespmem:$0x1B400] =	vst v63  }
0x86: {  	s21 =	smov.u32 s17;
	s1 =	smov.u32 s19  }
0x87: {  	p0 =	sne.s32 s17, $0xB0;
	s17 =	sadd.s32 $0x10, s17;
	_ =	swait.ge [sflag:s25], $0x4000  }
0x88: {  	[sflag:s25] =	ssyncset.done $0x0  }
0x89: {  	s23 =	sadd.s32 s21, s14;
	[sflag:s25] =	ssyncadd.s32 $0xFFFFC000  }
0x8a: {  	[hbm4b:s23+s26] =	stream.strided.scatter [tilespmem:s18], [sflag:$0x5], $0x4000, s28, s26, $0x38;
	[tilespmem:$0x1B400] =	vst v63  }
0x8b: {  	_ =	swait.ge [sflag:s15], $0x4000  }
0x8c: {  	[sflag:s15] =	ssyncset.done $0x0  }
0x8d: {  	s23 =	sadd.s32 $0xFFFFFD00, s19;
	[sflag:s15] =	ssyncadd.s32 $0xFFFFC000  }
0x8e: {  	[tilespmem:s18], [sflag:$0x1] =	stream.indirect.gather [hbm4b:s3+s16], $0x40, s23, s16, $0xb8;
	[tilespmem:$0x1B400] =	vst v63  }
0x8f: {  	_ =	swait.ge [sflag:s29], $0x4000  }
0x90: {  	[sflag:s29] =	ssyncset.done $0x0  }
0x91: {  	s23 =	sadd.s32 s21, s13;
	[sflag:s29] =	ssyncadd.s32 $0xFFFFC000  }
0x92: {  	[hbm4b:s23+s26] =	stream.strided.scatter [tilespmem:s20], [sflag:$0x5], $0x4000, s28, s26, $0x38;
	[tilespmem:$0x1B400] =	vst v63  }
0x93: {  	_ =	swait.ge [sflag:s15], $0x4000  }
0x94: {  	[sflag:s15] =	ssyncset.done $0x0  }
0x95: {  	s23 =	sadd.s32 $0xFFFFFE00, s19;
	[sflag:s15] =	ssyncadd.s32 $0xFFFFC000  }
0x96: {  	[tilespmem:s20], [sflag:$0x2] =	stream.indirect.gather [hbm4b:s3+s16], $0x40, s23, s16, $0xb8;
	[tilespmem:$0x1B400] =	vst v63  }
0x97: {  	_ =	swait.ge [sflag:s30], $0x4000  }
0x98: {  	[sflag:s30] =	ssyncset.done $0x0  }
0x99: {  	s23 =	sadd.s32 s21, s12;
	[sflag:s30] =	ssyncadd.s32 $0xFFFFC000  }
0x9a: {  	[hbm4b:s23+s26] =	stream.strided.scatter [tilespmem:s22], [sflag:$0x5], $0x4000, s28, s26, $0x38;
	[tilespmem:$0x1B400] =	vst v63  }
0x9b: {  	_ =	swait.ge [sflag:s15], $0x4000  }
0x9c: {  	[sflag:s15] =	ssyncset.done $0x0  }
0x9d: {  	s23 =	sadd.s32 $0xFFFFFF00, s19;
	[sflag:s15] =	ssyncadd.s32 $0xFFFFC000  }
0x9e: {  	[tilespmem:s22], [sflag:$0x3] =	stream.indirect.gather [hbm4b:s3+s16], $0x40, s23, s16, $0xb8;
	[tilespmem:$0x1B400] =	vst v63  }
0x9f: {  	_ =	swait.ge [sflag:s31], $0x4000  }
0xa0: {  	[sflag:s31] =	ssyncset.done $0x0  }
.Ltmp4:
0xa1: {  	s21 =	sadd.s32 s21, s11;
	[sflag:s31] =	ssyncadd.s32 $0xFFFFC000;
	(pc) =	sbr.rel @p0 .LBB2_10-.Ltmp4, $4  }
0xa2: {  	[hbm4b:s21+s26] =	stream.strided.scatter [tilespmem:s24], [sflag:$0x5], $0x4000, s28, s26, $0x38;
	[tilespmem:$0x1B400] =	vst v63  }
0xa3: {  	_ =	swait.ge [sflag:s15], $0x4000  }
0xa4: {  	[sflag:s15] =	ssyncset.done $0x0  }
0xa5: {  	s19 =	sadd.s32 $0x400, s19;
	[sflag:s15] =	ssyncadd.s32 $0xFFFFC000  }
0xa6: {  	[tilespmem:s24], [sflag:$0x4] =	stream.indirect.gather [hbm4b:s3+s16], $0x40, s1, s16, $0xb8;
	[tilespmem:$0x1B400] =	vst v63  }
0xa7: {  	_ =	swait.ge [sflag:s25], $0x4000  }
0xa8: {  	[sflag:s25] =	ssyncset.done $0x0  }
0xa9: {  	[sflag:s25] =	ssyncadd.s32 $0xFFFFC000  }
0xaa: {  	[hbm4b:s7+s26] =	stream.strided.scatter [tilespmem:s18], [sflag:$0x5], $0x4000, s28, s26, $0x38;
	[tilespmem:$0x1B400] =	vst v63  }
0xab: {  	_ =	swait.ge [sflag:s15], $0x4000  }
0xac: {  	[sflag:s15] =	ssyncset.done $0x0  }
0xad: {  	[sflag:s15] =	ssyncadd.s32 $0xFFFFC000  }
0xae: {  	_ =	swait.ge [sflag:s29], $0x4000  }
0xaf: {  	[sflag:s29] =	ssyncset.done $0x0  }
0xb0: {  	[sflag:s29] =	ssyncadd.s32 $0xFFFFC000  }
0xb1: {  	[hbm4b:s8+s26] =	stream.strided.scatter [tilespmem:s20], [sflag:$0x5], $0x4000, s28, s26, $0x38;
	[tilespmem:$0x1B400] =	vst v63  }
0xb2: {  	_ =	swait.ge [sflag:s15], $0x4000  }
0xb3: {  	[sflag:s15] =	ssyncset.done $0x0  }
0xb4: {  	[sflag:s15] =	ssyncadd.s32 $0xFFFFC000  }
0xb5: {  	_ =	swait.ge [sflag:s30], $0x4000  }
0xb6: {  	[sflag:s30] =	ssyncset.done $0x0  }
0xb7: {  	[sflag:s30] =	ssyncadd.s32 $0xFFFFC000  }
0xb8: {  	[hbm4b:s9+s26] =	stream.strided.scatter [tilespmem:s22], [sflag:$0x5], $0x4000, s28, s26, $0x38;
	[tilespmem:$0x1B400] =	vst v63  }
0xb9: {  	_ =	swait.ge [sflag:s15], $0x4000  }
0xba: {  	[sflag:s15] =	ssyncset.done $0x0  }
0xbb: {  	[sflag:s15] =	ssyncadd.s32 $0xFFFFC000  }
0xbc: {  	s0 =	sadd.s32 $0x1, s0;
	_ =	swait.ge [sflag:s31], $0x4000  }
0xbd: {  	p0 =	sne.s32 s0, s6;
	[sflag:s31] =	ssyncset.done $0x0  }
.Ltmp5:
0xbe: {  	[sflag:s31] =	ssyncadd.s32 $0xFFFFC000;
	(pc) =	sbr.rel @p0 .LBB2_1-.Ltmp5, $4  }
0xbf: {  	[hbm4b:s10+s26] =	stream.strided.scatter [tilespmem:s24], [sflag:$0x5], $0x4000, s28, s26, $0x38;
	[tilespmem:$0x1B400] =	vst v63  }
0xc0: {  	_ =	swait.ge [sflag:s15], $0x4000  }
0xc1: {  	[sflag:s15] =	ssyncset.done $0x0  }
0xc2: {  	[sflag:s15] =	ssyncadd.s32 $0xFFFFC000  }
0xc3: {  	_ =	sfence.sel $0x180000  }
0xc4: {  	[bflag:$0x0] =	sbarrier.arrive $0xFFFF  }
0xc5: {  	_ =	strace $0x90000047  }
0xc6: {  	s0 =	stileid.u32;
	[bflag:$0x2] =	sbarrier.arrive $0xFFFF  }
0xc7: {  	p0 =	sne.s32 s0, $0x0;
	s0 =	rddreg [dreg:$0x3]  }
0xc8: {  	s0 =	sadd.s32 @!p0 $0x100000, s0  }
0xc9: {  	[sflag:s0] =	ssyncadd.tile.s32 @!p0 $0x1;
	_ =	shalt  }
.Lfunc_end2:
_tile_overlayer_lowered:
.L_overlay_start_2:
0xca: {  	(tag) =	ssettag $0x2  }
0xcb: {  	s0 =	rddreg [dreg:$0x0];
	s2 =	stileid.u32  }
0xcc: {  	s1 =	rddreg [dreg:$0x1];
	p0 =	sne.s32 s2, $0x0  }
0xcd: {  	s3 =	rddreg [dreg:$0x2];
	[bflag:$0x3] =	sbarrier.arrive $0xFFFF;
	s2 =	simm.s32 @!p0 $0x1C05  }
0xce: {  	[timem:s3], [sflag:s2] =	dma.local @!p0 [hbm:s0], s1  }
0xcf: {  	s0 =	simm.s32 @!p0 $0x5  }
0xd0: {  	_ =	swait.ge @!p0 [sflag:s0], s1  }
0xd1: {  	s1 =	ssub.s32 @!p0 $0x0, s1;
	[sflag:s0] =	ssyncset.done @!p0 $0x0  }
0xd2: {  	[sflag:s0] =	ssyncadd.s32 @!p0 s1  }
0xd3: {  	[bflag:$0x3] =	sbarrier.arrive $0xFFFF  }
0xd4: {  	_ =	shalt  }

// kernel: sparse-core-data-format-call.cloned.1.call-start
scs
called_computation_lowered:
.L_overlay_start_0:
0x0: {  	s2 =	sld [smem:$0x3FD9]  }
0x1: {  	s3 =	sld [smem:$0x3FFE];
	_ =	sdelay $0x1  }
0x2: {  	s1 =	srdreg.scid  }
0x3: {  	s0 =	sand.u32 $0x1, s1  }
0x4: {  	s18 =	sshll.u32 s0, $0xA;
	s2 =	sadd.s32 s3, s2  }
0x5: {  	s2 =	sadd.s32 s2, s18  }
0x6: {  	[smem:$0x3FC6] =	sst s2  }
0x7: {  	_ = 	snop  }
0x8: {  	s2 =	sld [smem:$0x3FD0];
	(tm) =	ssettm $0x1  }
0x9: {  	s19 =	sld [smem:$0x3FFB];
	_ =	sdelay $0x3  }
0xa: {  	_ =	strace s19  }
0xb: {  	s3 =	sld [smem:$0x3FFC];
	_ =	sdelay $0x3  }
0xc: {  	_ =	strace s3  }
0xd: {  	s3 =	sld [smem:$0x3FFD];
	_ =	sdelay $0x3  }
0xe: {  	_ =	strace s3  }
0xf: {  	_ =	strace $0x8FFFFFFF  }
0x10: {  	s20 =	sld [smem:$0x3FDB];
	_ =	sdelay $0x1  }
0x11: {  	s4 =	simm.s32 $_scs_section_size  }
0x12: {  	s5 =	simm.s32 $_size__tile_overlayer_lowered;
	s6 =	simm.s32 $_tile_overlayer_lowered  }
0x13: {  	s23 =	simm.s32 $0x1BFF;
	s22 =	sshll.u32 s6, $0x1;
	s3 =	sadd.s32 s4, s20  }
0x14: {  	s7 =	simm.s32 $0x0;
	s21 =	sshll.u32 s5, $0x1;
	s5 =	sadd.s32 s22, s3  }
0x15: {  	[timem:s7], [sflag:s23] =	dma.local [hbm:s5], s21  }
0x16: {  	_ =	swait.ge [sflag:s23], s21  }
0x17: {  	s4 =	ssub.s32 $0x0, s21;
	[sflag:s23] =	ssyncset.done $0x0  }
0x18: {  	[sflag:s23] =	ssyncadd.s32 s4;
	_ =	sdelay $0x1  }
0x19: {  	s24 =	simm.s32 $0x1B8B  }
0x1a: {  	_ =	swait.ge [sflag:s24], $0x1  }
0x1b: {  	[sflag:s24] =	ssyncset.done $0x0  }
0x1c: {  	s26 =	simm.s32 $0x1B8E;
	s25 =	sld [smem:$0x3FFE];
	[sflag:s24] =	ssyncadd.s32 $0xFFFFFFFF  }
0x1d: {  	s27 =	simm.s32 $execute0_lowered;
	[smem:$0x3FD2] =	sst s26  }
0x1e: {  	s5 =	sshll.u32 s27, $0x1;
	_ =	strace $0x80000049;
	[dreg:$0x1] =	wrdreg $0xFFFFFFFF  }
0x1f: {  	s28 =	simm.s32 $_size_execute0_lowered;
	s3 =	sadd.s32 s3, s5;
	[dreg:$0x0] =	wrdreg $0x0  }
0x20: {  	s5 =	sshll.u32 s28, $0x1;
	[dreg:$0x2] =	wrdreg s3  }
0x21: {  	[dreg:$0x3] =	wrdreg s5  }
0x22: {  	[dreg:$0x4] =	wrdreg $0xC0  }
0x23: {  	_ =	task [dreg:s7], $0x5FFFF  }
0x24: {  	[dreg:$0x1] =	wrdreg $0xFFFFFFFF  }
0x25: {  	[dreg:$0x0] =	wrdreg $0x60  }
0x26: {  	[dreg:$0x2] =	wrdreg s25  }
0x27: {  	[dreg:$0x3] =	wrdreg s2  }
0x28: {  	[dreg:$0x4] =	wrdreg $0x9  }
0x29: {  	_ =	task.clear_ibuf [dreg:s7], $0x5FFFF;
	_ =	strace $0x90000049  }
0x2a: {  	s29 =	simm.s32 $0x9;
	_ =	strace $0x8000004B  }
0x2b: {  	_ =	swait.ge [sflag:s29], $0x1  }
0x2c: {  	[sflag:s29] =	ssyncadd.s32 $0xFFFFFFFF  }
0x2d: {  	_ =	strace $0x9000004B  }
0x2e: {  	_ =	sfence  }
0x2f: {  	s30 =	sld [smem:$0x0];
	_ =	sdelay $0x2  }
0x30: {  	s31 =	sshll.u32 s1, $0xD;
	s1 =	sshrl.u32 s1, $0x2  }
0x31: {  	s3 =	sand.u32 $0x4000, s31;
	s1 =	sadd.s32 s1, s30  }
0x32: {  	s0 =	sor.u32 s3, s0;
	s1 =	sshll.u32 s1, $0x11  }
0x33: {  	s0 =	sor.u32 s1, s0  }
0x34: {  	s0 =	sadd.s32 $0x8F2B, s0  }
0x35: {  	[sflag:s0] =	ssyncadd.remote.s32 $0x1  }
0x36: {  	_ =	sfence.sel $0xFFFF  }
0x37: {  	[dreg:$0x0] =	wrdreg $0xFFFFFFFF;
	(pc) =	sbr.abs _section_cstart, $3  }
0x38: {  	[dreg:$0x1] =	wrdreg $0xFFFFFFFF  }
0x39: {  	_ =	task.clear_ibuf [dreg:s7], $0x2FFFF;
	_ =	strace $0x9FFFFFFF  }
0x3a: {  	(tm) =	ssettm $0x7FFFFFFF  }
0x3b: {  	_ =	shalt  }
tec
execute0_lowered:
.L_overlay_start_1:
0x0: {  	(tag) =	ssettag $0x1  }
0x1: {  	s0 =	srdreg.scid  }
0x2: {  	s1 =	sshll.u32 s0, $0x4  }
0x3: {  	s0 =	stileid.u32;
	s1 =	sand.u32 $0x10, s1  }
0x4: {  	s1 =	sor.u32 s0, s1  }
0x5: {  	s6 =	rddreg [dreg:$0x0];
	s4 =	simm.s32 $0x1;
	s2 =	sshll.u32 s1, $0x7  }
0x6: {  	s7 =	simm.s32 $0x2;
	s12 =	simm.s32 $0x0;
	s1 =	ssub.s32 $0x4000, s2  }
0x7: {  	s8 =	simm.s32 $0x20000;
	s13 =	simm.s32 $0x0;
	s3 =	sand.u32 $0xF80, s1  }
0x8: {  	s9 =	simm.s32 $0x0;
	s5 =	sshrl.u32 s1, $0xC;
	p0 =	sne.s32 s3, $0x0  }
.Ltmp0:
0x9: {  	s1 =	rddreg [dreg:$0x2];
	s4 =	simm.s32 @!p0 $0x0;
	(pc) =	sbr.rel .LBB1_1-.Ltmp0, $4  }
0xa: {  	s11 =	simm.s32 $0x0;
	s3 =	rddreg [dreg:$0x1];
	s5 =	sadd.s32 s4, s5  }
0xb: {  	_ =	strace $0x8000004A;
	s4 =	simm.s32 $0x1;
	s5 =	smul.u32 $0x1A, s5  }
0xc: {  	s6 =	sadd.s32 $0x800, s6;
	s10 =	smov.u32 s2;
	[sflag:s4] =	ssyncpa.u1 $0x0  }
0xd: {  	p0 =	por $0x0, $0x0;
	[sflag:s7] =	ssyncpa.u1 $0x0;
	s7 =	sor.u32 $0x1, s5  }
.LBB1_4:
0xe: {  	s16 =	sshll.u32 s13, $0x3;
	s17 =	sand.u32 $0x78, s13  }
0xf: {  	s30 =	sand.u32 $0x1F800, s13;
	s12 =	sshll.u32 s12, $0x11;
	s16 =	sand.u32 $0x3C00, s16  }
0x10: {  	[tilespmem:s15+$0x810 ss:$0x81] =	vst.msk $0xffff, v2;
	s31 =	sand.u32 $0x7, s13;
	s16 =	sor.u32 s17, s16;
	s17 =	sadd.s32 s3, s30  }
0x11: {  	[tilespmem:s15+$0x1020 ss:$0x81] =	vst.msk $0xffff, v0;
	s13 =	sshll.u32 s31, $0x12;
	s12 =	sadd.s32 s12, s17;
	s16 =	sshrl.u32 s16, $0x3  }
0x12: {  	[tilespmem:s15+$0x0 ss:$0x81] =	vst.msk $0xffff, v1;
	s13 =	sor.u32 $0x400, s13;
	s12 =	sadd.s32 s16, s12  }
0x13: {  	[hbm4b:s12+s13] =	stream.strided.scatter [tilespmem:s14], [sflag:$0x2], $0x2000, s8, s13, $0x20;
	[tilespmem:$0x8080] =	vst v63  }
.LBB1_5:
0x14: {  	s14 =	sadd.s32 $0x1, s9  }
0x15: {  	s12 =	sadd.s32 $0x1000, s10;
	s16 =	smov.u32 s10;
	p2 =	sgt.s32 s14, $0x19  }
0x16: {  	s16 =	smov.u32 @p2 s12  }
0x17: {  	s14 =	simm.s32 @p2 $0x0;
	p2 =	sgt.s32 s16, $0x3FFF  }
0x18: {  	s16 =	smov.u32 @p2 s2;
	p2 =	sne.s32 s11, s7  }
.Ltmp1:
0x19: {  	p1 =	slt.u32 s11, $0x2;
	(pc) =	sbr.rel @!p2 .LBB1_6-.Ltmp1, $4  }
0x1a: {  	s15 =	simm.s32 @!p1 $0x2  }
0x1b: {  	s13 =	smov.u32 s10;
	p0 =	por !p0, !p0;
	_ =	swait.ge @!p1 [sflag:s15], $0x2000  }
0x1c: {  	s12 =	smov.u32 s9;
	[sflag:s15] =	ssyncset.done @!p1 $0x0;
	s9 =	smov.u32 s14  }
0x1d: {  	s11 =	sadd.s32 $0x1, s11;
	[sflag:s15] =	ssyncadd.s32 @!p1 $0xFFFFE000;
	s10 =	smov.u32 s16  }
.LBB1_1:
0x1e: {  	p1 =	sge.u32 s11, s5  }
0x1f: {  	s31 =	sadd.s32 $0xFFFFFFFF, s11;
	s14 =	sxor.u32 @!p1 $0xFFFFFFFF, s11  }
0x20: {  	s15 =	sshll.u32 @!p1 s10, $0x9;
	s16 =	sshll.u32 @!p1 s9, $0x4;
	s17 =	simm.s32 @!p1 $0x1000  }
0x21: {  	s14 =	sshll.u32 @!p1 s14, $0xD;
	s16 =	sand.u32 @!p1 $0x1F0, s16;
	s15 =	sadd.s32 @!p1 s6, s15  }
0x22: {  	s14 =	sand.u32 @!p1 $0x2000, s14;
	s15 =	sadd.s32 @!p1 s16, s15;
	s16 =	simm.s32 @!p1 $0x40  }
0x23: {  	[tilespmem:s14], [sflag:$0x1] =	stream.strided.gather @!p1 [hbm4b:s15+s16], $0x2000, s17, s16, $0x38;
	[tilespmem:$0x8080] =	vst v63  }
0x24: {  	p1 =	sge.u32 s31, s5  }
.Ltmp2:
0x25: {  	_ = 	snop;
	(pc) =	sbr.rel @p1 .LBB1_5-.Ltmp2, $1  }
0x26: {  	_ =	sdelay $0x3  }
0x27: {  	s14 =	simm.s32 $0x1  }
0x28: {  	_ =	swait.ge [sflag:s4], $0x2000;
	s14 =	simm.s32 @!p0 $0x0  }
0x29: {  	[sflag:s4] =	ssyncset.done $0x0;
	s15 =	sshll.u32 s14, $0xD  }
0x2a: {  	[sflag:s4] =	ssyncadd.s32 $0xFFFFE000;
	s18 =	sor.u32 $0x20, s15  }
0x2b: {  	s14 =	smul.u32 $0x8100, s14;
	v3 =	vld [tilespmem:s18+$0x10]  }
0x2c: {  	s30 =	sand.u32 $0x1, s11;
	v2 =	vld [tilespmem:s18+$0xFFFFFFF0]  }
0x2d: {  	s15 =	smul.u32 $0x8100, s30;
	s14 =	sshrl.u32 s14, $0x2;
	v0 =	vld [tilespmem:s18+$0x0]  }
0x2e: {  	v1 =	vld [tilespmem:s18+$0xFFFFFFE0];
	s16 =	sor.u32 $0x4000, s14  }
0x2f: {  	s31 =	sshrl.u32 s15, $0x2;
	s15 =	sadd.s32 $0x0, s16  }
0x30: {  	s17 =	simm.s32 $0x4;
	s18 =	sadd.s32 $0x40, s18;
	s14 =	sor.u32 $0x4000, s31;
	[tilespmem:s15+$0x1830 ss:$0x81] =	vst.msk $0xffff, v3  }
.LBB1_3:
0x31: {  	v3 =	vld [tilespmem:s18+$0x10];
	p1 =	sne.s32 s17, $0x1FC;
	[tilespmem:s15+$0x810 ss:$0x81] =	vst.msk $0xffff, v2;
	s19 =	smov.u32 s17;
	s17 =	sadd.s32 $0x4, s17  }
.Ltmp3:
0x32: {  	v2 =	vld [tilespmem:s18+$0xFFFFFFF0];
	[tilespmem:s15+$0x1020 ss:$0x81] =	vst.msk $0xffff, v0;
	(pc) =	sbr.rel @p1 .LBB1_3-.Ltmp3, $4  }
0x33: {  	v0 =	vld [tilespmem:s18+$0x0];
	[tilespmem:s15+$0x0 ss:$0x81] =	vst.msk $0xffff, v1  }
0x34: {  	s15 =	sshra.s32 s19, $0x2;
	v1 =	vld [tilespmem:s18+$0xFFFFFFE0]  }
0x35: {  	s15 =	sadd.s32 s15, s16  }
0x36: {  	s18 =	sadd.s32 $0x40, s18;
	[tilespmem:s15+$0x1830 ss:$0x81] =	vst.msk $0xffff, v3  }
.Ltmp4:
0x37: {  	_ = 	snop;
	(pc) =	sbr.rel .LBB1_4-.Ltmp4, $1  }
0x38: {  	_ =	sdelay $0x3  }
.LBB1_6:
0x39: {  	_ =	sfence.sel $0x180000  }
0x3a: {  	s2 =	simm.s32 $0x1;
	[bflag:$0x0] =	sbarrier.arrive $0xFFFF  }
0x3b: {  	s31 =	simm.s32 $0x2;
	[sflag:s2] =	ssyncpa.u1 $0x1  }
0x3c: {  	[sflag:s31] =	ssyncpa.u1 $0x1  }
0x3d: {  	p0 =	sne.s32 s0, $0x0;
	_ =	strace $0x9000004A  }
0x3e: {  	s0 =	sadd.s32 @!p0 $0x100000, s1;
	[bflag:$0x2] =	sbarrier.arrive $0xFFFF  }
0x3f: {  	[sflag:s0] =	ssyncadd.tile.s32 @!p0 $0x1;
	_ =	shalt  }
.Lfunc_end1:
_tile_overlayer_lowered:
.L_overlay_start_2:
0x40: {  	(tag) =	ssettag $0x2  }
0x41: {  	s0 =	rddreg [dreg:$0x0];
	s2 =	stileid.u32  }
0x42: {  	s1 =	rddreg [dreg:$0x1];
	p0 =	sne.s32 s2, $0x0  }
0x43: {  	s3 =	rddreg [dreg:$0x2];
	[bflag:$0x3] =	sbarrier.arrive $0xFFFF;
	s2 =	simm.s32 @!p0 $0x1C01  }
0x44: {  	[timem:s3], [sflag:s2] =	dma.local @!p0 [hbm:s0], s1  }
0x45: {  	s0 =	simm.s32 @!p0 $0x1  }
0x46: {  	_ =	swait.ge @!p0 [sflag:s0], s1  }
0x47: {  	s1 =	ssub.s32 @!p0 $0x0, s1;
	[sflag:s0] =	ssyncset.done @!p0 $0x0  }
0x48: {  	[sflag:s0] =	ssyncadd.s32 @!p0 s1  }
0x49: {  	[bflag:$0x3] =	sbarrier.arrive $0xFFFF  }
0x4a: {  	_ =	shalt  }

</sc_bundles>
